<compile_context>
chip_gen: v7x
topology: tpu7x:2x2x1
jax: 0.10.2.dev20260603
libtpu: 0.0.44.dev20260713+nightly
codegen_flags: <defaults>
</compile_context>

<pallas_src>
import functools

import jax
import jax.numpy as jnp
from jax import lax
from jax.experimental import pallas as pl
from jax.experimental.pallas import tpu as pltpu
from jax.experimental.pallas import tpu_sc as plsc

VOCAB = 1000
D = 128
BATCH = 4096
SEQ = 200
N = BATCH * SEQ

NC = 2
NS = 16
NW = NC * NS
CHUNK = 128
NBUF = 4
STAGERS = 5
VPS = VOCAB // STAGERS


def _make_lookup(chunks):
    rpw = chunks * CHUNK
    groups = chunks // NBUF

    @functools.partial(
        pl.kernel,
        out_type=jax.ShapeDtypeStruct((NW * rpw, D), jnp.float32),
        mesh=plsc.VectorSubcoreMesh(core_axis_name="c", subcore_axis_name="s"),
        scratch_types=[
            pltpu.VMEM((chunks, CHUNK), jnp.int32),
            pltpu.VMEM((NBUF, CHUNK, D), jnp.float32),
            pltpu.VMEM_SHARED((VOCAB, D), jnp.float32),
            pltpu.SemaphoreType.DMA((NBUF,)),
            pltpu.SemaphoreType.DMA((NBUF,)),
        ],
    )
    def _emb_lookup(table_hbm, idx_hbm, out_hbm, idx_v, rows_v,
                    table_spm, gsem, ssem):
        sid = lax.axis_index("s")
        wid = sid * NC + lax.axis_index("c")

        @pl.when(sid < STAGERS)
        def _stage():
            for p, (off, rows) in enumerate(((0, CHUNK), (CHUNK, VPS - CHUNK))):
                base = sid * VPS + off
                pltpu.sync_copy(table_hbm.at[pl.ds(base, rows)],
                                rows_v.at[p].at[pl.ds(0, rows)])
                pltpu.sync_copy(rows_v.at[p].at[pl.ds(0, rows)],
                                table_spm.at[pl.ds(base, rows)])

        pltpu.sync_copy(idx_hbm.at[wid], idx_v)
        plsc.subcore_barrier()
        out_base = wid * rpw

        def gather(j, b):
            pltpu.async_copy(table_spm.at[idx_v.at[j]], rows_v.at[b],
                             gsem.at[b])

        def store(j, b):
            pltpu.async_copy(
                rows_v.at[b], out_hbm.at[pl.ds(out_base + j * CHUNK, CHUNK)],
                ssem.at[b])

        def wait(sem, b, rows=CHUNK):
            pltpu.make_async_copy(
                table_hbm.at[pl.ds(0, rows)],
                rows_v.at[b].at[pl.ds(0, rows)], sem.at[b]).wait()

        for b in range(NBUF):
            gather(b, b)

        def body(i, carry):
            for b in range(NBUF):
                j = i * NBUF + b
                wait(gsem, b)
                store(j, b)
                wait(ssem, b)
                gather(j + NBUF, b)
            return carry

        lax.fori_loop(0, groups - 1, body, 0)

        for b in range(NBUF):
            j = (groups - 1) * NBUF + b
            wait(gsem, b)
            store(j, b)
        for b in range(NBUF):
            wait(ssem, b)

    return _emb_lookup


_CHUNKS = N // (NW * CHUNK)
_LOOKUP = _make_lookup(_CHUNKS)


def kernel(input_seq, embedding_weight):
    idx = input_seq.reshape(NW, _CHUNKS, CHUNK).astype(jnp.int32)
    out = _LOOKUP(embedding_weight, idx)
    return out.reshape(BATCH, SEQ, D)

# --- scband reference (transcript-rebuilt; emitter-appended) ---
"""Pipeline reference for scband-character-embedding-34918084116546 (READ-ONLY COPY).

The authoritative reference and input builder live on the scoring server;
editing this copy changes nothing except your own understanding.
"""

import jax, jax.numpy as jnp
import numpy as np

VOCAB = 1000
EMBED_DIM = 128
BATCH = 4096
SEQ = 200

def setup_inputs(seed: int = 0) -> dict:
    key = jax.random.key(seed)
    k_idx, k_tbl = jax.random.split(key)
    input_seq = jax.random.randint(k_idx, (BATCH, SEQ), 0, VOCAB, dtype=jnp.int64)
    # nn.Embedding default init: N(0, 1)
    embedding_weight = jax.random.normal(k_tbl, (VOCAB, EMBED_DIM), dtype=jnp.float32)
    return {"input_seq": input_seq, "embedding_weight": embedding_weight}

def reference(input_seq, embedding_weight):
    # Faithful translation of nn.Embedding forward: row gather from the table.
    return jnp.take(embedding_weight, input_seq, axis=0)

if __name__ == "__main__":
    import jax
    _d = setup_inputs()
    print(jax.jit(kernel)(*tuple(_d.values())))

</pallas_src>

<mosaic_0001>
#map = affine_map<(d0, d1) -> (0, 0)>
#map1 = affine_map<(d0, d1) -> (0, 0, 0)>
module attributes {stable_mosaic.version = 14 : i64} {
  func.func @_emb_lookup(%arg0: i32, %arg1: i32, %arg2: memref<1000x128xf32, #tpu.memory_space<hbm>>, %arg3: memref<32x200x128xi32, #tpu.memory_space<hbm>>, %arg4: memref<819200x128xf32, #tpu.memory_space<hbm>>, %arg5: memref<200x128xi32, #tpu.memory_space<vmem>>, %arg6: memref<4x128x128xf32, #tpu.memory_space<vmem>>, %arg7: memref<1000x128xf32, #tpu.memory_space<vmem_shared>>, %arg8: memref<4x!tpu.dma_semaphore, #tpu.memory_space<semaphore_mem>>, %arg9: memref<4x!tpu.dma_semaphore, #tpu.memory_space<semaphore_mem>>) attributes {dimension_semantics = [#tpu.dimension_semantics<core_parallel>, #tpu.dimension_semantics<subcore_parallel>], iteration_bounds = array<i64: 2, 16>, scalar_prefetch = 0 : i64, scratch_operands = 5 : i64, tpu.core_type = #tpu.core_type<sc_vector_subcore>, window_params = [{transform_indices = #map}, {transform_indices = #map1}, {transform_indices = #map}]} {
    %mul3A = arith.constant 2 : i32
    %mul3A_0 = arith.muli %arg1, %mul3A : i32
    %add3A = arith.addi %mul3A_0, %arg0 : i32
    %lt3A = arith.constant 5 : i32
    %lt3A_1 = arith.cmpi slt, %arg1, %lt3A : i32
    %convert_element_type3A = arith.extui %lt3A_1 : i1 to i32
    %cond3A = arith.constant 0 : i32
    %cond3A_2 = arith.cmpi ne, %convert_element_type3A, %cond3A : i32
    scf.if %cond3A_2 {
      %mul3A_332 = arith.constant 200 : i32
      %mul3A_333 = arith.muli %arg1, %mul3A_332 : i32
      %add3A_334 = arith.constant 0 : i32
      %add3A_335 = arith.addi %mul3A_333, %add3A_334 : i32
      %run_scoped3A = arith.constant 0 : i32
      "tpu.region"() ({
        %run_scoped3A_343 = tpu.sem_alloc : memref<!tpu.dma_semaphore, #tpu.memory_space<semaphore_mem>>
        %dma_start3A_344 = arith.constant 0 : i32
        %dma_start3A_345 = arith.constant 0 : i32
        %dma_start3A_346 = tpu.memref_slice %arg6[%run_scoped3A, %dma_start3A_344, %dma_start3A_345] : memref<4x128x128xf32, #tpu.memory_space<vmem>> -> memref<1x128x128xf32, #tpu.memory_space<vmem>>
        %dma_start3A_347 = tpu.memref_squeeze %dma_start3A_346 : memref<1x128x128xf32, #tpu.memory_space<vmem>> -> memref<128x128xf32, #tpu.memory_space<vmem>>
        %dma_start3A_348 = arith.constant 0 : i32
        %dma_start3A_349 = arith.constant 0 : i32
        %dma_start3A_350 = tpu.memref_slice %dma_start3A_347[%dma_start3A_348, %dma_start3A_349] : memref<128x128xf32, #tpu.memory_space<vmem>> -> memref<128x128xf32, #tpu.memory_space<vmem>>
        %dma_start3A_351 = arith.constant 0 : i32
        %dma_start3A_352 = tpu.memref_slice %arg2[%add3A_335, %dma_start3A_351] : memref<1000x128xf32, #tpu.memory_space<hbm>> -> memref<128x128xf32, #tpu.memory_space<hbm>>
        %dma_start3A_353 = arith.constant 0 : i32
        %dma_start3A_354 = arith.constant 0 : i32
        %dma_start3A_355 = tpu.memref_slice %arg6[%run_scoped3A, %dma_start3A_353, %dma_start3A_354] : memref<4x128x128xf32, #tpu.memory_space<vmem>> -> memref<1x128x128xf32, #tpu.memory_space<vmem>>
        %dma_start3A_356 = tpu.memref_squeeze %dma_start3A_355 : memref<1x128x128xf32, #tpu.memory_space<vmem>> -> memref<128x128xf32, #tpu.memory_space<vmem>>
        %dma_start3A_357 = arith.constant 0 : i32
        %dma_start3A_358 = arith.constant 0 : i32
        %dma_start3A_359 = tpu.memref_slice %dma_start3A_356[%dma_start3A_357, %dma_start3A_358] : memref<128x128xf32, #tpu.memory_space<vmem>> -> memref<128x128xf32, #tpu.memory_space<vmem>>
        %dma_start3A_360 = arith.constant 0 : i32
        %dma_start3A_361 = tpu.memref_slice %arg2[%add3A_335, %dma_start3A_360] : memref<1000x128xf32, #tpu.memory_space<hbm>> -> memref<128x128xf32, #tpu.memory_space<hbm>>
        tpu.enqueue_dma source(%dma_start3A_361 : memref<128x128xf32, #tpu.memory_space<hbm>>) target(%dma_start3A_359 : memref<128x128xf32, #tpu.memory_space<vmem>>) target_semaphore(%run_scoped3A_343 : memref<!tpu.dma_semaphore, #tpu.memory_space<semaphore_mem>>)
        %dma_wait3A_362 = arith.constant 0 : i32
        %dma_wait3A_363 = arith.constant 0 : i32
        %dma_wait3A_364 = tpu.memref_slice %arg6[%run_scoped3A, %dma_wait3A_362, %dma_wait3A_363] : memref<4x128x128xf32, #tpu.memory_space<vmem>> -> memref<1x128x128xf32, #tpu.memory_space<vmem>>
        %dma_wait3A_365 = tpu.memref_squeeze %dma_wait3A_364 : memref<1x128x128xf32, #tpu.memory_space<vmem>> -> memref<128x128xf32, #tpu.memory_space<vmem>>
        %dma_wait3A_366 = arith.constant 0 : i32
        %dma_wait3A_367 = arith.constant 0 : i32
        %dma_wait3A_368 = tpu.memref_slice %dma_wait3A_365[%dma_wait3A_366, %dma_wait3A_367] : memref<128x128xf32, #tpu.memory_space<vmem>> -> memref<128x128xf32, #tpu.memory_space<vmem>>
        %dma_wait3A_369 = arith.constant 0 : i32
        %dma_wait3A_370 = tpu.memref_slice %arg2[%add3A_335, %dma_wait3A_369] : memref<1000x128xf32, #tpu.memory_space<hbm>> -> memref<128x128xf32, #tpu.memory_space<hbm>>
        %dma_wait3A_371 = arith.constant 0 : i32
        %dma_wait3A_372 = arith.constant 0 : i32
        %dma_wait3A_373 = tpu.memref_slice %arg6[%run_scoped3A, %dma_wait3A_371, %dma_wait3A_372] : memref<4x128x128xf32, #tpu.memory_space<vmem>> -> memref<1x128x128xf32, #tpu.memory_space<vmem>>
        %dma_wait3A_374 = tpu.memref_squeeze %dma_wait3A_373 : memref<1x128x128xf32, #tpu.memory_space<vmem>> -> memref<128x128xf32, #tpu.memory_space<vmem>>
        %dma_wait3A_375 = arith.constant 0 : i32
        %dma_wait3A_376 = arith.constant 0 : i32
        %dma_wait3A_377 = tpu.memref_slice %dma_wait3A_374[%dma_wait3A_375, %dma_wait3A_376] : memref<128x128xf32, #tpu.memory_space<vmem>> -> memref<128x128xf32, #tpu.memory_space<vmem>>
        %dma_wait3A_378 = arith.constant 0 : i32
        %dma_wait3A_379 = tpu.memref_slice %arg2[%add3A_335, %dma_wait3A_378] : memref<1000x128xf32, #tpu.memory_space<hbm>> -> memref<128x128xf32, #tpu.memory_space<hbm>>
        tpu.wait_dma2 semaphore(%run_scoped3A_343 : memref<!tpu.dma_semaphore, #tpu.memory_space<semaphore_mem>>) src(%dma_wait3A_379 : memref<128x128xf32, #tpu.memory_space<hbm>>) dst(%dma_wait3A_377 : memref<128x128xf32, #tpu.memory_space<vmem>>)
        tpu.yield
      }) : () -> ()
      %run_scoped3A_336 = arith.constant 0 : i32
      "tpu.region"() ({
        %run_scoped3A_343 = tpu.sem_alloc : memref<!tpu.dma_semaphore, #tpu.memory_space<semaphore_mem>>
        %dma_start3A_344 = arith.constant 0 : i32
        %dma_start3A_345 = arith.constant 0 : i32
        %dma_start3A_346 = tpu.memref_slice %arg6[%run_scoped3A_336, %dma_start3A_344, %dma_start3A_345] : memref<4x128x128xf32, #tpu.memory_space<vmem>> -> memref<1x128x128xf32, #tpu.memory_space<vmem>>
        %dma_start3A_347 = tpu.memref_squeeze %dma_start3A_346 : memref<1x128x128xf32, #tpu.memory_space<vmem>> -> memref<128x128xf32, #tpu.memory_space<vmem>>
        %dma_start3A_348 = arith.constant 0 : i32
        %dma_start3A_349 = arith.constant 0 : i32
        %dma_start3A_350 = tpu.memref_slice %dma_start3A_347[%dma_start3A_348, %dma_start3A_349] : memref<128x128xf32, #tpu.memory_space<vmem>> -> memref<128x128xf32, #tpu.memory_space<vmem>>
        %dma_start3A_351 = arith.constant 0 : i32
        %dma_start3A_352 = tpu.memref_slice %arg7[%add3A_335, %dma_start3A_351] : memref<1000x128xf32, #tpu.memory_space<vmem_shared>> -> memref<128x128xf32, #tpu.memory_space<vmem_shared>>
        %dma_start3A_353 = arith.constant 0 : i32
        %dma_start3A_354 = tpu.memref_slice %arg7[%add3A_335, %dma_start3A_353] : memref<1000x128xf32, #tpu.memory_space<vmem_shared>> -> memref<128x128xf32, #tpu.memory_space<vmem_shared>>
        %dma_start3A_355 = arith.constant 0 : i32
        %dma_start3A_356 = arith.constant 0 : i32
        %dma_start3A_357 = tpu.memref_slice %arg6[%run_scoped3A_336, %dma_start3A_355, %dma_start3A_356] : memref<4x128x128xf32, #tpu.memory_space<vmem>> -> memref<1x128x128xf32, #tpu.memory_space<vmem>>
        %dma_start3A_358 = tpu.memref_squeeze %dma_start3A_357 : memref<1x128x128xf32, #tpu.memory_space<vmem>> -> memref<128x128xf32, #tpu.memory_space<vmem>>
        %dma_start3A_359 = arith.constant 0 : i32
        %dma_start3A_360 = arith.constant 0 : i32
        %dma_start3A_361 = tpu.memref_slice %dma_start3A_358[%dma_start3A_359, %dma_start3A_360] : memref<128x128xf32, #tpu.memory_space<vmem>> -> memref<128x128xf32, #tpu.memory_space<vmem>>
        tpu.enqueue_dma source(%dma_start3A_361 : memref<128x128xf32, #tpu.memory_space<vmem>>) target(%dma_start3A_354 : memref<128x128xf32, #tpu.memory_space<vmem_shared>>) target_semaphore(%run_scoped3A_343 : memref<!tpu.dma_semaphore, #tpu.memory_space<semaphore_mem>>)
        %dma_wait3A_362 = arith.constant 0 : i32
        %dma_wait3A_363 = arith.constant 0 : i32
        %dma_wait3A_364 = tpu.memref_slice %arg6[%run_scoped3A_336, %dma_wait3A_362, %dma_wait3A_363] : memref<4x128x128xf32, #tpu.memory_space<vmem>> -> memref<1x128x128xf32, #tpu.memory_space<vmem>>
        %dma_wait3A_365 = tpu.memref_squeeze %dma_wait3A_364 : memref<1x128x128xf32, #tpu.memory_space<vmem>> -> memref<128x128xf32, #tpu.memory_space<vmem>>
        %dma_wait3A_366 = arith.constant 0 : i32
        %dma_wait3A_367 = arith.constant 0 : i32
        %dma_wait3A_368 = tpu.memref_slice %dma_wait3A_365[%dma_wait3A_366, %dma_wait3A_367] : memref<128x128xf32, #tpu.memory_space<vmem>> -> memref<128x128xf32, #tpu.memory_space<vmem>>
        %dma_wait3A_369 = arith.constant 0 : i32
        %dma_wait3A_370 = tpu.memref_slice %arg7[%add3A_335, %dma_wait3A_369] : memref<1000x128xf32, #tpu.memory_space<vmem_shared>> -> memref<128x128xf32, #tpu.memory_space<vmem_shared>>
        %dma_wait3A_371 = arith.constant 0 : i32
        %dma_wait3A_372 = tpu.memref_slice %arg7[%add3A_335, %dma_wait3A_371] : memref<1000x128xf32, #tpu.memory_space<vmem_shared>> -> memref<128x128xf32, #tpu.memory_space<vmem_shared>>
        %dma_wait3A_373 = arith.constant 0 : i32
        %dma_wait3A_374 = arith.constant 0 : i32
        %dma_wait3A_375 = tpu.memref_slice %arg6[%run_scoped3A_336, %dma_wait3A_373, %dma_wait3A_374] : memref<4x128x128xf32, #tpu.memory_space<vmem>> -> memref<1x128x128xf32, #tpu.memory_space<vmem>>
        %dma_wait3A_376 = tpu.memref_squeeze %dma_wait3A_375 : memref<1x128x128xf32, #tpu.memory_space<vmem>> -> memref<128x128xf32, #tpu.memory_space<vmem>>
        %dma_wait3A_377 = arith.constant 0 : i32
        %dma_wait3A_378 = arith.constant 0 : i32
        %dma_wait3A_379 = tpu.memref_slice %dma_wait3A_376[%dma_wait3A_377, %dma_wait3A_378] : memref<128x128xf32, #tpu.memory_space<vmem>> -> memref<128x128xf32, #tpu.memory_space<vmem>>
        tpu.wait_dma2 semaphore(%run_scoped3A_343 : memref<!tpu.dma_semaphore, #tpu.memory_space<semaphore_mem>>) src(%dma_wait3A_379 : memref<128x128xf32, #tpu.memory_space<vmem>>) dst(%dma_wait3A_372 : memref<128x128xf32, #tpu.memory_space<vmem_shared>>)
        tpu.yield
      }) : () -> ()
      %mul3A_337 = arith.constant 200 : i32
      %mul3A_338 = arith.muli %arg1, %mul3A_337 : i32
      %add3A_339 = arith.constant 128 : i32
      %add3A_340 = arith.addi %mul3A_338, %add3A_339 : i32
      %run_scoped3A_341 = arith.constant 1 : i32
      "tpu.region"() ({
        %run_scoped3A_343 = tpu.sem_alloc : memref<!tpu.dma_semaphore, #tpu.memory_space<semaphore_mem>>
        %dma_start3A_344 = arith.constant 0 : i32
        %dma_start3A_345 = arith.constant 0 : i32
        %dma_start3A_346 = tpu.memref_slice %arg6[%run_scoped3A_341, %dma_start3A_344, %dma_start3A_345] : memref<4x128x128xf32, #tpu.memory_space<vmem>> -> memref<1x128x128xf32, #tpu.memory_space<vmem>>
        %dma_start3A_347 = tpu.memref_squeeze %dma_start3A_346 : memref<1x128x128xf32, #tpu.memory_space<vmem>> -> memref<128x128xf32, #tpu.memory_space<vmem>>
        %dma_start3A_348 = arith.constant 0 : i32
        %dma_start3A_349 = arith.constant 0 : i32
        %dma_start3A_350 = tpu.memref_slice %dma_start3A_347[%dma_start3A_348, %dma_start3A_349] : memref<128x128xf32, #tpu.memory_space<vmem>> -> memref<72x128xf32, #tpu.memory_space<vmem>>
        %dma_start3A_351 = arith.constant 0 : i32
        %dma_start3A_352 = tpu.memref_slice %arg2[%add3A_340, %dma_start3A_351] : memref<1000x128xf32, #tpu.memory_space<hbm>> -> memref<72x128xf32, #tpu.memory_space<hbm>>
        %dma_start3A_353 = arith.constant 0 : i32
        %dma_start3A_354 = arith.constant 0 : i32
        %dma_start3A_355 = tpu.memref_slice %arg6[%run_scoped3A_341, %dma_start3A_353, %dma_start3A_354] : memref<4x128x128xf32, #tpu.memory_space<vmem>> -> memref<1x128x128xf32, #tpu.memory_space<vmem>>
        %dma_start3A_356 = tpu.memref_squeeze %dma_start3A_355 : memref<1x128x128xf32, #tpu.memory_space<vmem>> -> memref<128x128xf32, #tpu.memory_space<vmem>>
        %dma_start3A_357 = arith.constant 0 : i32
        %dma_start3A_358 = arith.constant 0 : i32
        %dma_start3A_359 = tpu.memref_slice %dma_start3A_356[%dma_start3A_357, %dma_start3A_358] : memref<128x128xf32, #tpu.memory_space<vmem>> -> memref<72x128xf32, #tpu.memory_space<vmem>>
        %dma_start3A_360 = arith.constant 0 : i32
        %dma_start3A_361 = tpu.memref_slice %arg2[%add3A_340, %dma_start3A_360] : memref<1000x128xf32, #tpu.memory_space<hbm>> -> memref<72x128xf32, #tpu.memory_space<hbm>>
        tpu.enqueue_dma source(%dma_start3A_361 : memref<72x128xf32, #tpu.memory_space<hbm>>) target(%dma_start3A_359 : memref<72x128xf32, #tpu.memory_space<vmem>>) target_semaphore(%run_scoped3A_343 : memref<!tpu.dma_semaphore, #tpu.memory_space<semaphore_mem>>)
        %dma_wait3A_362 = arith.constant 0 : i32
        %dma_wait3A_363 = arith.constant 0 : i32
        %dma_wait3A_364 = tpu.memref_slice %arg6[%run_scoped3A_341, %dma_wait3A_362, %dma_wait3A_363] : memref<4x128x128xf32, #tpu.memory_space<vmem>> -> memref<1x128x128xf32, #tpu.memory_space<vmem>>
        %dma_wait3A_365 = tpu.memref_squeeze %dma_wait3A_364 : memref<1x128x128xf32, #tpu.memory_space<vmem>> -> memref<128x128xf32, #tpu.memory_space<vmem>>
        %dma_wait3A_366 = arith.constant 0 : i32
        %dma_wait3A_367 = arith.constant 0 : i32
        %dma_wait3A_368 = tpu.memref_slice %dma_wait3A_365[%dma_wait3A_366, %dma_wait3A_367] : memref<128x128xf32, #tpu.memory_space<vmem>> -> memref<72x128xf32, #tpu.memory_space<vmem>>
        %dma_wait3A_369 = arith.constant 0 : i32
        %dma_wait3A_370 = tpu.memref_slice %arg2[%add3A_340, %dma_wait3A_369] : memref<1000x128xf32, #tpu.memory_space<hbm>> -> memref<72x128xf32, #tpu.memory_space<hbm>>
        %dma_wait3A_371 = arith.constant 0 : i32
        %dma_wait3A_372 = arith.constant 0 : i32
        %dma_wait3A_373 = tpu.memref_slice %arg6[%run_scoped3A_341, %dma_wait3A_371, %dma_wait3A_372] : memref<4x128x128xf32, #tpu.memory_space<vmem>> -> memref<1x128x128xf32, #tpu.memory_space<vmem>>
        %dma_wait3A_374 = tpu.memref_squeeze %dma_wait3A_373 : memref<1x128x128xf32, #tpu.memory_space<vmem>> -> memref<128x128xf32, #tpu.memory_space<vmem>>
        %dma_wait3A_375 = arith.constant 0 : i32
        %dma_wait3A_376 = arith.constant 0 : i32
        %dma_wait3A_377 = tpu.memref_slice %dma_wait3A_374[%dma_wait3A_375, %dma_wait3A_376] : memref<128x128xf32, #tpu.memory_space<vmem>> -> memref<72x128xf32, #tpu.memory_space<vmem>>
        %dma_wait3A_378 = arith.constant 0 : i32
        %dma_wait3A_379 = tpu.memref_slice %arg2[%add3A_340, %dma_wait3A_378] : memref<1000x128xf32, #tpu.memory_space<hbm>> -> memref<72x128xf32, #tpu.memory_space<hbm>>
        tpu.wait_dma2 semaphore(%run_scoped3A_343 : memref<!tpu.dma_semaphore, #tpu.memory_space<semaphore_mem>>) src(%dma_wait3A_379 : memref<72x128xf32, #tpu.memory_space<hbm>>) dst(%dma_wait3A_377 : memref<72x128xf32, #tpu.memory_space<vmem>>)
        tpu.yield
      }) : () -> ()
      %run_scoped3A_342 = arith.constant 1 : i32
      "tpu.region"() ({
        %run_scoped3A_343 = tpu.sem_alloc : memref<!tpu.dma_semaphore, #tpu.memory_space<semaphore_mem>>
        %dma_start3A_344 = arith.constant 0 : i32
        %dma_start3A_345 = arith.constant 0 : i32
        %dma_start3A_346 = tpu.memref_slice %arg6[%run_scoped3A_342, %dma_start3A_344, %dma_start3A_345] : memref<4x128x128xf32, #tpu.memory_space<vmem>> -> memref<1x128x128xf32, #tpu.memory_space<vmem>>
        %dma_start3A_347 = tpu.memref_squeeze %dma_start3A_346 : memref<1x128x128xf32, #tpu.memory_space<vmem>> -> memref<128x128xf32, #tpu.memory_space<vmem>>
        %dma_start3A_348 = arith.constant 0 : i32
        %dma_start3A_349 = arith.constant 0 : i32
        %dma_start3A_350 = tpu.memref_slice %dma_start3A_347[%dma_start3A_348, %dma_start3A_349] : memref<128x128xf32, #tpu.memory_space<vmem>> -> memref<72x128xf32, #tpu.memory_space<vmem>>
        %dma_start3A_351 = arith.constant 0 : i32
        %dma_start3A_352 = tpu.memref_slice %arg7[%add3A_340, %dma_start3A_351] : memref<1000x128xf32, #tpu.memory_space<vmem_shared>> -> memref<72x128xf32, #tpu.memory_space<vmem_shared>>
        %dma_start3A_353 = arith.constant 0 : i32
        %dma_start3A_354 = tpu.memref_slice %arg7[%add3A_340, %dma_start3A_353] : memref<1000x128xf32, #tpu.memory_space<vmem_shared>> -> memref<72x128xf32, #tpu.memory_space<vmem_shared>>
        %dma_start3A_355 = arith.constant 0 : i32
        %dma_start3A_356 = arith.constant 0 : i32
        %dma_start3A_357 = tpu.memref_slice %arg6[%run_scoped3A_342, %dma_start3A_355, %dma_start3A_356] : memref<4x128x128xf32, #tpu.memory_space<vmem>> -> memref<1x128x128xf32, #tpu.memory_space<vmem>>
        %dma_start3A_358 = tpu.memref_squeeze %dma_start3A_357 : memref<1x128x128xf32, #tpu.memory_space<vmem>> -> memref<128x128xf32, #tpu.memory_space<vmem>>
        %dma_start3A_359 = arith.constant 0 : i32
        %dma_start3A_360 = arith.constant 0 : i32
        %dma_start3A_361 = tpu.memref_slice %dma_start3A_358[%dma_start3A_359, %dma_start3A_360] : memref<128x128xf32, #tpu.memory_space<vmem>> -> memref<72x128xf32, #tpu.memory_space<vmem>>
        tpu.enqueue_dma source(%dma_start3A_361 : memref<72x128xf32, #tpu.memory_space<vmem>>) target(%dma_start3A_354 : memref<72x128xf32, #tpu.memory_space<vmem_shared>>) target_semaphore(%run_scoped3A_343 : memref<!tpu.dma_semaphore, #tpu.memory_space<semaphore_mem>>)
        %dma_wait3A_362 = arith.constant 0 : i32
        %dma_wait3A_363 = arith.constant 0 : i32
        %dma_wait3A_364 = tpu.memref_slice %arg6[%run_scoped3A_342, %dma_wait3A_362, %dma_wait3A_363] : memref<4x128x128xf32, #tpu.memory_space<vmem>> -> memref<1x128x128xf32, #tpu.memory_space<vmem>>
        %dma_wait3A_365 = tpu.memref_squeeze %dma_wait3A_364 : memref<1x128x128xf32, #tpu.memory_space<vmem>> -> memref<128x128xf32, #tpu.memory_space<vmem>>
        %dma_wait3A_366 = arith.constant 0 : i32
        %dma_wait3A_367 = arith.constant 0 : i32
        %dma_wait3A_368 = tpu.memref_slice %dma_wait3A_365[%dma_wait3A_366, %dma_wait3A_367] : memref<128x128xf32, #tpu.memory_space<vmem>> -> memref<72x128xf32, #tpu.memory_space<vmem>>
        %dma_wait3A_369 = arith.constant 0 : i32
        %dma_wait3A_370 = tpu.memref_slice %arg7[%add3A_340, %dma_wait3A_369] : memref<1000x128xf32, #tpu.memory_space<vmem_shared>> -> memref<72x128xf32, #tpu.memory_space<vmem_shared>>
        %dma_wait3A_371 = arith.constant 0 : i32
        %dma_wait3A_372 = tpu.memref_slice %arg7[%add3A_340, %dma_wait3A_371] : memref<1000x128xf32, #tpu.memory_space<vmem_shared>> -> memref<72x128xf32, #tpu.memory_space<vmem_shared>>
        %dma_wait3A_373 = arith.constant 0 : i32
        %dma_wait3A_374 = arith.constant 0 : i32
        %dma_wait3A_375 = tpu.memref_slice %arg6[%run_scoped3A_342, %dma_wait3A_373, %dma_wait3A_374] : memref<4x128x128xf32, #tpu.memory_space<vmem>> -> memref<1x128x128xf32, #tpu.memory_space<vmem>>
        %dma_wait3A_376 = tpu.memref_squeeze %dma_wait3A_375 : memref<1x128x128xf32, #tpu.memory_space<vmem>> -> memref<128x128xf32, #tpu.memory_space<vmem>>
        %dma_wait3A_377 = arith.constant 0 : i32
        %dma_wait3A_378 = arith.constant 0 : i32
        %dma_wait3A_379 = tpu.memref_slice %dma_wait3A_376[%dma_wait3A_377, %dma_wait3A_378] : memref<128x128xf32, #tpu.memory_space<vmem>> -> memref<72x128xf32, #tpu.memory_space<vmem>>
        tpu.wait_dma2 semaphore(%run_scoped3A_343 : memref<!tpu.dma_semaphore, #tpu.memory_space<semaphore_mem>>) src(%dma_wait3A_379 : memref<72x128xf32, #tpu.memory_space<vmem>>) dst(%dma_wait3A_372 : memref<72x128xf32, #tpu.memory_space<vmem_shared>>)
        tpu.yield
      }) : () -> ()
    } else {
    }
    "tpu.region"() ({
      %run_scoped3A = tpu.sem_alloc : memref<!tpu.dma_semaphore, #tpu.memory_space<semaphore_mem>>
      %dma_start3A_332 = arith.constant 0 : i32
      %dma_start3A_333 = arith.constant 0 : i32
      %dma_start3A_334 = tpu.memref_slice %arg3[%add3A, %dma_start3A_332, %dma_start3A_333] : memref<32x200x128xi32, #tpu.memory_space<hbm>> -> memref<1x200x128xi32, #tpu.memory_space<hbm>>
      %dma_start3A_335 = tpu.memref_squeeze %dma_start3A_334 : memref<1x200x128xi32, #tpu.memory_space<hbm>> -> memref<200x128xi32, #tpu.memory_space<hbm>>
      %dma_start3A_336 = arith.constant 0 : i32
      %dma_start3A_337 = arith.constant 0 : i32
      %dma_start3A_338 = tpu.memref_slice %arg3[%add3A, %dma_start3A_336, %dma_start3A_337] : memref<32x200x128xi32, #tpu.memory_space<hbm>> -> memref<1x200x128xi32, #tpu.memory_space<hbm>>
      %dma_start3A_339 = tpu.memref_squeeze %dma_start3A_338 : memref<1x200x128xi32, #tpu.memory_space<hbm>> -> memref<200x128xi32, #tpu.memory_space<hbm>>
      tpu.enqueue_dma source(%dma_start3A_339 : memref<200x128xi32, #tpu.memory_space<hbm>>) target(%arg5 : memref<200x128xi32, #tpu.memory_space<vmem>>) target_semaphore(%run_scoped3A : memref<!tpu.dma_semaphore, #tpu.memory_space<semaphore_mem>>)
      %dma_wait3A_340 = arith.constant 0 : i32
      %dma_wait3A_341 = arith.constant 0 : i32
      %dma_wait3A_342 = tpu.memref_slice %arg3[%add3A, %dma_wait3A_340, %dma_wait3A_341] : memref<32x200x128xi32, #tpu.memory_space<hbm>> -> memref<1x200x128xi32, #tpu.memory_space<hbm>>
      %dma_wait3A_343 = tpu.memref_squeeze %dma_wait3A_342 : memref<1x200x128xi32, #tpu.memory_space<hbm>> -> memref<200x128xi32, #tpu.memory_space<hbm>>
      %dma_wait3A_344 = arith.constant 0 : i32
      %dma_wait3A_345 = arith.constant 0 : i32
      %dma_wait3A_346 = tpu.memref_slice %arg3[%add3A, %dma_wait3A_344, %dma_wait3A_345] : memref<32x200x128xi32, #tpu.memory_space<hbm>> -> memref<1x200x128xi32, #tpu.memory_space<hbm>>
      %dma_wait3A_347 = tpu.memref_squeeze %dma_wait3A_346 : memref<1x200x128xi32, #tpu.memory_space<hbm>> -> memref<200x128xi32, #tpu.memory_space<hbm>>
      tpu.wait_dma2 semaphore(%run_scoped3A : memref<!tpu.dma_semaphore, #tpu.memory_space<semaphore_mem>>) src(%dma_wait3A_347 : memref<200x128xi32, #tpu.memory_space<hbm>>) dst(%arg5 : memref<200x128xi32, #tpu.memory_space<vmem>>)
      tpu.yield
    }) : () -> ()
    %barrier3A = arith.constant 0 : index
    tpu.barrier barrier_id(%barrier3A)
    %mul3A_3 = arith.constant 25600 : i32
    %mul3A_4 = arith.muli %add3A, %mul3A_3 : i32
    %dma_start3A = arith.constant 0 : i32
    %dma_start3A_5 = arith.constant 0 : i32
    %dma_start3A_6 = arith.constant 0 : i32
    %dma_start3A_7 = arith.constant 0 : i32
    %dma_start3A_8 = arith.constant 0 : i32
    %dma_start3A_9 = tpu.memref_slice %arg6[%dma_start3A_5, %dma_start3A_7, %dma_start3A_8] : memref<4x128x128xf32, #tpu.memory_space<vmem>> -> memref<1x128x128xf32, #tpu.memory_space<vmem>>
    %dma_start3A_10 = tpu.memref_squeeze %dma_start3A_9 : memref<1x128x128xf32, #tpu.memory_space<vmem>> -> memref<128x128xf32, #tpu.memory_space<vmem>>
    %dma_start3A_11 = arith.constant 0 : i32
    %dma_start3A_12 = tpu.memref_slice %arg5[%dma_start3A, %dma_start3A_11] : memref<200x128xi32, #tpu.memory_space<vmem>> -> memref<1x128xi32, #tpu.memory_space<vmem>>
    %dma_start3A_13 = tpu.memref_squeeze %dma_start3A_12 : memref<1x128xi32, #tpu.memory_space<vmem>> -> memref<128xi32, #tpu.memory_space<vmem>>
    %dma_start3A_14 = arith.constant 0 : i32
    %dma_start3A_15 = arith.constant 0 : i32
    %dma_start3A_16 = tpu.memref_slice %arg7[%dma_start3A_14, %dma_start3A_15] : memref<1000x128xf32, #tpu.memory_space<vmem_shared>> -> memref<1000x128xf32, #tpu.memory_space<vmem_shared>>
    %dma_start3A_17 = tpu.memref_slice %arg8[%dma_start3A_6] : memref<4x!tpu.dma_semaphore, #tpu.memory_space<semaphore_mem>> -> memref<1x!tpu.dma_semaphore, #tpu.memory_space<semaphore_mem>>
    %dma_start3A_18 = tpu.memref_squeeze %dma_start3A_17 : memref<1x!tpu.dma_semaphore, #tpu.memory_space<semaphore_mem>> -> memref<!tpu.dma_semaphore, #tpu.memory_space<semaphore_mem>>
    tpu.enqueue_indirect_dma source(%dma_start3A_16 : memref<1000x128xf32, #tpu.memory_space<vmem_shared>>) target(%dma_start3A_10 : memref<128x128xf32, #tpu.memory_space<vmem>>) offsets(%dma_start3A_13 : memref<128xi32, #tpu.memory_space<vmem>>) semaphore(%dma_start3A_18 : memref<!tpu.dma_semaphore, #tpu.memory_space<semaphore_mem>>)
    %dma_start3A_19 = arith.constant 1 : i32
    %dma_start3A_20 = arith.constant 1 : i32
    %dma_start3A_21 = arith.constant 1 : i32
    %dma_start3A_22 = arith.constant 0 : i32
    %dma_start3A_23 = arith.constant 0 : i32
    %dma_start3A_24 = tpu.memref_slice %arg6[%dma_start3A_20, %dma_start3A_22, %dma_start3A_23] : memref<4x128x128xf32, #tpu.memory_space<vmem>> -> memref<1x128x128xf32, #tpu.memory_space<vmem>>
    %dma_start3A_25 = tpu.memref_squeeze %dma_start3A_24 : memref<1x128x128xf32, #tpu.memory_space<vmem>> -> memref<128x128xf32, #tpu.memory_space<vmem>>
    %dma_start3A_26 = arith.constant 0 : i32
    %dma_start3A_27 = tpu.memref_slice %arg5[%dma_start3A_19, %dma_start3A_26] : memref<200x128xi32, #tpu.memory_space<vmem>> -> memref<1x128xi32, #tpu.memory_space<vmem>>
    %dma_start3A_28 = tpu.memref_squeeze %dma_start3A_27 : memref<1x128xi32, #tpu.memory_space<vmem>> -> memref<128xi32, #tpu.memory_space<vmem>>
    %dma_start3A_29 = arith.constant 0 : i32
    %dma_start3A_30 = arith.constant 0 : i32
    %dma_start3A_31 = tpu.memref_slice %arg7[%dma_start3A_29, %dma_start3A_30] : memref<1000x128xf32, #tpu.memory_space<vmem_shared>> -> memref<1000x128xf32, #tpu.memory_space<vmem_shared>>
    %dma_start3A_32 = tpu.memref_slice %arg8[%dma_start3A_21] : memref<4x!tpu.dma_semaphore, #tpu.memory_space<semaphore_mem>> -> memref<1x!tpu.dma_semaphore, #tpu.memory_space<semaphore_mem>>
    %dma_start3A_33 = tpu.memref_squeeze %dma_start3A_32 : memref<1x!tpu.dma_semaphore, #tpu.memory_space<semaphore_mem>> -> memref<!tpu.dma_semaphore, #tpu.memory_space<semaphore_mem>>
    tpu.enqueue_indirect_dma source(%dma_start3A_31 : memref<1000x128xf32, #tpu.memory_space<vmem_shared>>) target(%dma_start3A_25 : memref<128x128xf32, #tpu.memory_space<vmem>>) offsets(%dma_start3A_28 : memref<128xi32, #tpu.memory_space<vmem>>) semaphore(%dma_start3A_33 : memref<!tpu.dma_semaphore, #tpu.memory_space<semaphore_mem>>)
    %dma_start3A_34 = arith.constant 2 : i32
    %dma_start3A_35 = arith.constant 2 : i32
    %dma_start3A_36 = arith.constant 2 : i32
    %dma_start3A_37 = arith.constant 0 : i32
    %dma_start3A_38 = arith.constant 0 : i32
    %dma_start3A_39 = tpu.memref_slice %arg6[%dma_start3A_35, %dma_start3A_37, %dma_start3A_38] : memref<4x128x128xf32, #tpu.memory_space<vmem>> -> memref<1x128x128xf32, #tpu.memory_space<vmem>>
    %dma_start3A_40 = tpu.memref_squeeze %dma_start3A_39 : memref<1x128x128xf32, #tpu.memory_space<vmem>> -> memref<128x128xf32, #tpu.memory_space<vmem>>
    %dma_start3A_41 = arith.constant 0 : i32
    %dma_start3A_42 = tpu.memref_slice %arg5[%dma_start3A_34, %dma_start3A_41] : memref<200x128xi32, #tpu.memory_space<vmem>> -> memref<1x128xi32, #tpu.memory_space<vmem>>
    %dma_start3A_43 = tpu.memref_squeeze %dma_start3A_42 : memref<1x128xi32, #tpu.memory_space<vmem>> -> memref<128xi32, #tpu.memory_space<vmem>>
    %dma_start3A_44 = arith.constant 0 : i32
    %dma_start3A_45 = arith.constant 0 : i32
    %dma_start3A_46 = tpu.memref_slice %arg7[%dma_start3A_44, %dma_start3A_45] : memref<1000x128xf32, #tpu.memory_space<vmem_shared>> -> memref<1000x128xf32, #tpu.memory_space<vmem_shared>>
    %dma_start3A_47 = tpu.memref_slice %arg8[%dma_start3A_36] : memref<4x!tpu.dma_semaphore, #tpu.memory_space<semaphore_mem>> -> memref<1x!tpu.dma_semaphore, #tpu.memory_space<semaphore_mem>>
    %dma_start3A_48 = tpu.memref_squeeze %dma_start3A_47 : memref<1x!tpu.dma_semaphore, #tpu.memory_space<semaphore_mem>> -> memref<!tpu.dma_semaphore, #tpu.memory_space<semaphore_mem>>
    tpu.enqueue_indirect_dma source(%dma_start3A_46 : memref<1000x128xf32, #tpu.memory_space<vmem_shared>>) target(%dma_start3A_40 : memref<128x128xf32, #tpu.memory_space<vmem>>) offsets(%dma_start3A_43 : memref<128xi32, #tpu.memory_space<vmem>>) semaphore(%dma_start3A_48 : memref<!tpu.dma_semaphore, #tpu.memory_space<semaphore_mem>>)
    %dma_start3A_49 = arith.constant 3 : i32
    %dma_start3A_50 = arith.constant 3 : i32
    %dma_start3A_51 = arith.constant 3 : i32
    %dma_start3A_52 = arith.constant 0 : i32
    %dma_start3A_53 = arith.constant 0 : i32
    %dma_start3A_54 = tpu.memref_slice %arg6[%dma_start3A_50, %dma_start3A_52, %dma_start3A_53] : memref<4x128x128xf32, #tpu.memory_space<vmem>> -> memref<1x128x128xf32, #tpu.memory_space<vmem>>
    %dma_start3A_55 = tpu.memref_squeeze %dma_start3A_54 : memref<1x128x128xf32, #tpu.memory_space<vmem>> -> memref<128x128xf32, #tpu.memory_space<vmem>>
    %dma_start3A_56 = arith.constant 0 : i32
    %dma_start3A_57 = tpu.memref_slice %arg5[%dma_start3A_49, %dma_start3A_56] : memref<200x128xi32, #tpu.memory_space<vmem>> -> memref<1x128xi32, #tpu.memory_space<vmem>>
    %dma_start3A_58 = tpu.memref_squeeze %dma_start3A_57 : memref<1x128xi32, #tpu.memory_space<vmem>> -> memref<128xi32, #tpu.memory_space<vmem>>
    %dma_start3A_59 = arith.constant 0 : i32
    %dma_start3A_60 = arith.constant 0 : i32
    %dma_start3A_61 = tpu.memref_slice %arg7[%dma_start3A_59, %dma_start3A_60] : memref<1000x128xf32, #tpu.memory_space<vmem_shared>> -> memref<1000x128xf32, #tpu.memory_space<vmem_shared>>
    %dma_start3A_62 = tpu.memref_slice %arg8[%dma_start3A_51] : memref<4x!tpu.dma_semaphore, #tpu.memory_space<semaphore_mem>> -> memref<1x!tpu.dma_semaphore, #tpu.memory_space<semaphore_mem>>
    %dma_start3A_63 = tpu.memref_squeeze %dma_start3A_62 : memref<1x!tpu.dma_semaphore, #tpu.memory_space<semaphore_mem>> -> memref<!tpu.dma_semaphore, #tpu.memory_space<semaphore_mem>>
    tpu.enqueue_indirect_dma source(%dma_start3A_61 : memref<1000x128xf32, #tpu.memory_space<vmem_shared>>) target(%dma_start3A_55 : memref<128x128xf32, #tpu.memory_space<vmem>>) offsets(%dma_start3A_58 : memref<128xi32, #tpu.memory_space<vmem>>) semaphore(%dma_start3A_63 : memref<!tpu.dma_semaphore, #tpu.memory_space<semaphore_mem>>)
    %scan3A = arith.constant 0 : i32
    %scan3A_64 = arith.constant 0 : i32
    %scan3A_65 = arith.constant 49 : i32
    %scan3A_66 = arith.addi %scan3A_64, %scan3A_65 : i32
    %scan3A_67 = arith.constant 1 : i32
    scf.for %scan3A_332 = %scan3A_64 to %scan3A_66 step %scan3A_67  : i32 {
      %mul3A_333 = arith.constant 4 : i32
      %mul3A_334 = arith.muli %scan3A_332, %mul3A_333 : i32
      %add3A_335 = arith.constant 0 : i32
      %add3A_336 = arith.addi %mul3A_334, %add3A_335 : i32
      %dma_wait3A_337 = arith.constant 0 : i32
      %dma_wait3A_338 = arith.constant 0 : i32
      %dma_wait3A_339 = arith.constant 0 : i32
      %dma_wait3A_340 = arith.constant 0 : i32
      %dma_wait3A_341 = tpu.memref_slice %arg6[%dma_wait3A_337, %dma_wait3A_339, %dma_wait3A_340] : memref<4x128x128xf32, #tpu.memory_space<vmem>> -> memref<1x128x128xf32, #tpu.memory_space<vmem>>
      %dma_wait3A_342 = tpu.memref_squeeze %dma_wait3A_341 : memref<1x128x128xf32, #tpu.memory_space<vmem>> -> memref<128x128xf32, #tpu.memory_space<vmem>>
      %dma_wait3A_343 = arith.constant 0 : i32
      %dma_wait3A_344 = arith.constant 0 : i32
      %dma_wait3A_345 = tpu.memref_slice %dma_wait3A_342[%dma_wait3A_343, %dma_wait3A_344] : memref<128x128xf32, #tpu.memory_space<vmem>> -> memref<128x128xf32, #tpu.memory_space<vmem>>
      %dma_wait3A_346 = arith.constant 0 : i32
      %dma_wait3A_347 = arith.constant 0 : i32
      %dma_wait3A_348 = tpu.memref_slice %arg2[%dma_wait3A_346, %dma_wait3A_347] : memref<1000x128xf32, #tpu.memory_space<hbm>> -> memref<128x128xf32, #tpu.memory_space<hbm>>
      %dma_wait3A_349 = tpu.memref_slice %arg8[%dma_wait3A_338] : memref<4x!tpu.dma_semaphore, #tpu.memory_space<semaphore_mem>> -> memref<1x!tpu.dma_semaphore, #tpu.memory_space<semaphore_mem>>
      %dma_wait3A_350 = tpu.memref_squeeze %dma_wait3A_349 : memref<1x!tpu.dma_semaphore, #tpu.memory_space<semaphore_mem>> -> memref<!tpu.dma_semaphore, #tpu.memory_space<semaphore_mem>>
      %dma_wait3A_351 = arith.constant 0 : i32
      %dma_wait3A_352 = arith.constant 0 : i32
      %dma_wait3A_353 = tpu.memref_slice %arg6[%dma_wait3A_337, %dma_wait3A_351, %dma_wait3A_352] : memref<4x128x128xf32, #tpu.memory_space<vmem>> -> memref<1x128x128xf32, #tpu.memory_space<vmem>>
      %dma_wait3A_354 = tpu.memref_squeeze %dma_wait3A_353 : memref<1x128x128xf32, #tpu.memory_space<vmem>> -> memref<128x128xf32, #tpu.memory_space<vmem>>
      %dma_wait3A_355 = arith.constant 0 : i32
      %dma_wait3A_356 = arith.constant 0 : i32
      %dma_wait3A_357 = tpu.memref_slice %dma_wait3A_354[%dma_wait3A_355, %dma_wait3A_356] : memref<128x128xf32, #tpu.memory_space<vmem>> -> memref<128x128xf32, #tpu.memory_space<vmem>>
      %dma_wait3A_358 = arith.constant 0 : i32
      %dma_wait3A_359 = arith.constant 0 : i32
      %dma_wait3A_360 = tpu.memref_slice %arg2[%dma_wait3A_358, %dma_wait3A_359] : memref<1000x128xf32, #tpu.memory_space<hbm>> -> memref<128x128xf32, #tpu.memory_space<hbm>>
      tpu.wait_dma2 semaphore(%dma_wait3A_350 : memref<!tpu.dma_semaphore, #tpu.memory_space<semaphore_mem>>) src(%dma_wait3A_360 : memref<128x128xf32, #tpu.memory_space<hbm>>) dst(%dma_wait3A_357 : memref<128x128xf32, #tpu.memory_space<vmem>>)
      %mul3A_361 = arith.constant 128 : i32
      %mul3A_362 = arith.muli %add3A_336, %mul3A_361 : i32
      %add3A_363 = arith.addi %mul3A_4, %mul3A_362 : i32
      %dma_start3A_364 = arith.constant 0 : i32
      %dma_start3A_365 = arith.constant 0 : i32
      %dma_start3A_366 = arith.constant 0 : i32
      %dma_start3A_367 = arith.constant 0 : i32
      %dma_start3A_368 = tpu.memref_slice %arg6[%dma_start3A_364, %dma_start3A_366, %dma_start3A_367] : memref<4x128x128xf32, #tpu.memory_space<vmem>> -> memref<1x128x128xf32, #tpu.memory_space<vmem>>
      %dma_start3A_369 = tpu.memref_squeeze %dma_start3A_368 : memref<1x128x128xf32, #tpu.memory_space<vmem>> -> memref<128x128xf32, #tpu.memory_space<vmem>>
      %dma_start3A_370 = arith.constant 0 : i32
      %dma_start3A_371 = tpu.memref_slice %arg4[%add3A_363, %dma_start3A_370] : memref<819200x128xf32, #tpu.memory_space<hbm>> -> memref<128x128xf32, #tpu.memory_space<hbm>>
      %dma_start3A_372 = tpu.memref_slice %arg9[%dma_start3A_365] : memref<4x!tpu.dma_semaphore, #tpu.memory_space<semaphore_mem>> -> memref<1x!tpu.dma_semaphore, #tpu.memory_space<semaphore_mem>>
      %dma_start3A_373 = tpu.memref_squeeze %dma_start3A_372 : memref<1x!tpu.dma_semaphore, #tpu.memory_space<semaphore_mem>> -> memref<!tpu.dma_semaphore, #tpu.memory_space<semaphore_mem>>
      %dma_start3A_374 = arith.constant 0 : i32
      %dma_start3A_375 = tpu.memref_slice %arg4[%add3A_363, %dma_start3A_374] : memref<819200x128xf32, #tpu.memory_space<hbm>> -> memref<128x128xf32, #tpu.memory_space<hbm>>
      %dma_start3A_376 = arith.constant 0 : i32
      %dma_start3A_377 = arith.constant 0 : i32
      %dma_start3A_378 = tpu.memref_slice %arg6[%dma_start3A_364, %dma_start3A_376, %dma_start3A_377] : memref<4x128x128xf32, #tpu.memory_space<vmem>> -> memref<1x128x128xf32, #tpu.memory_space<vmem>>
      %dma_start3A_379 = tpu.memref_squeeze %dma_start3A_378 : memref<1x128x128xf32, #tpu.memory_space<vmem>> -> memref<128x128xf32, #tpu.memory_space<vmem>>
      tpu.enqueue_dma source(%dma_start3A_379 : memref<128x128xf32, #tpu.memory_space<vmem>>) target(%dma_start3A_375 : memref<128x128xf32, #tpu.memory_space<hbm>>) target_semaphore(%dma_start3A_373 : memref<!tpu.dma_semaphore, #tpu.memory_space<semaphore_mem>>)
      %dma_wait3A_380 = arith.constant 0 : i32
      %dma_wait3A_381 = arith.constant 0 : i32
      %dma_wait3A_382 = arith.constant 0 : i32
      %dma_wait3A_383 = arith.constant 0 : i32
      %dma_wait3A_384 = tpu.memref_slice %arg6[%dma_wait3A_380, %dma_wait3A_382, %dma_wait3A_383] : memref<4x128x128xf32, #tpu.memory_space<vmem>> -> memref<1x128x128xf32, #tpu.memory_space<vmem>>
      %dma_wait3A_385 = tpu.memref_squeeze %dma_wait3A_384 : memref<1x128x128xf32, #tpu.memory_space<vmem>> -> memref<128x128xf32, #tpu.memory_space<vmem>>
      %dma_wait3A_386 = arith.constant 0 : i32
      %dma_wait3A_387 = arith.constant 0 : i32
      %dma_wait3A_388 = tpu.memref_slice %dma_wait3A_385[%dma_wait3A_386, %dma_wait3A_387] : memref<128x128xf32, #tpu.memory_space<vmem>> -> memref<128x128xf32, #tpu.memory_space<vmem>>
      %dma_wait3A_389 = arith.constant 0 : i32
      %dma_wait3A_390 = arith.constant 0 : i32
      %dma_wait3A_391 = tpu.memref_slice %arg2[%dma_wait3A_389, %dma_wait3A_390] : memref<1000x128xf32, #tpu.memory_space<hbm>> -> memref<128x128xf32, #tpu.memory_space<hbm>>
      %dma_wait3A_392 = tpu.memref_slice %arg9[%dma_wait3A_381] : memref<4x!tpu.dma_semaphore, #tpu.memory_space<semaphore_mem>> -> memref<1x!tpu.dma_semaphore, #tpu.memory_space<semaphore_mem>>
      %dma_wait3A_393 = tpu.memref_squeeze %dma_wait3A_392 : memref<1x!tpu.dma_semaphore, #tpu.memory_space<semaphore_mem>> -> memref<!tpu.dma_semaphore, #tpu.memory_space<semaphore_mem>>
      %dma_wait3A_394 = arith.constant 0 : i32
      %dma_wait3A_395 = arith.constant 0 : i32
      %dma_wait3A_396 = tpu.memref_slice %arg6[%dma_wait3A_380, %dma_wait3A_394, %dma_wait3A_395] : memref<4x128x128xf32, #tpu.memory_space<vmem>> -> memref<1x128x128xf32, #tpu.memory_space<vmem>>
      %dma_wait3A_397 = tpu.memref_squeeze %dma_wait3A_396 : memref<1x128x128xf32, #tpu.memory_space<vmem>> -> memref<128x128xf32, #tpu.memory_space<vmem>>
      %dma_wait3A_398 = arith.constant 0 : i32
      %dma_wait3A_399 = arith.constant 0 : i32
      %dma_wait3A_400 = tpu.memref_slice %dma_wait3A_397[%dma_wait3A_398, %dma_wait3A_399] : memref<128x128xf32, #tpu.memory_space<vmem>> -> memref<128x128xf32, #tpu.memory_space<vmem>>
      %dma_wait3A_401 = arith.constant 0 : i32
      %dma_wait3A_402 = arith.constant 0 : i32
      %dma_wait3A_403 = tpu.memref_slice %arg2[%dma_wait3A_401, %dma_wait3A_402] : memref<1000x128xf32, #tpu.memory_space<hbm>> -> memref<128x128xf32, #tpu.memory_space<hbm>>
      tpu.wait_dma2 semaphore(%dma_wait3A_393 : memref<!tpu.dma_semaphore, #tpu.memory_space<semaphore_mem>>) src(%dma_wait3A_403 : memref<128x128xf32, #tpu.memory_space<hbm>>) dst(%dma_wait3A_400 : memref<128x128xf32, #tpu.memory_space<vmem>>)
      %add3A_404 = arith.constant 4 : i32
      %add3A_405 = arith.addi %add3A_336, %add3A_404 : i32
      %dma_start3A_406 = arith.constant 0 : i32
      %dma_start3A_407 = arith.constant 0 : i32
      %dma_start3A_408 = arith.constant 0 : i32
      %dma_start3A_409 = arith.constant 0 : i32
      %dma_start3A_410 = tpu.memref_slice %arg6[%dma_start3A_406, %dma_start3A_408, %dma_start3A_409] : memref<4x128x128xf32, #tpu.memory_space<vmem>> -> memref<1x128x128xf32, #tpu.memory_space<vmem>>
      %dma_start3A_411 = tpu.memref_squeeze %dma_start3A_410 : memref<1x128x128xf32, #tpu.memory_space<vmem>> -> memref<128x128xf32, #tpu.memory_space<vmem>>
      %dma_start3A_412 = arith.constant 0 : i32
      %dma_start3A_413 = tpu.memref_slice %arg5[%add3A_405, %dma_start3A_412] : memref<200x128xi32, #tpu.memory_space<vmem>> -> memref<1x128xi32, #tpu.memory_space<vmem>>
      %dma_start3A_414 = tpu.memref_squeeze %dma_start3A_413 : memref<1x128xi32, #tpu.memory_space<vmem>> -> memref<128xi32, #tpu.memory_space<vmem>>
      %dma_start3A_415 = arith.constant 0 : i32
      %dma_start3A_416 = arith.constant 0 : i32
      %dma_start3A_417 = tpu.memref_slice %arg7[%dma_start3A_415, %dma_start3A_416] : memref<1000x128xf32, #tpu.memory_space<vmem_shared>> -> memref<1000x128xf32, #tpu.memory_space<vmem_shared>>
      %dma_start3A_418 = tpu.memref_slice %arg8[%dma_start3A_407] : memref<4x!tpu.dma_semaphore, #tpu.memory_space<semaphore_mem>> -> memref<1x!tpu.dma_semaphore, #tpu.memory_space<semaphore_mem>>
      %dma_start3A_419 = tpu.memref_squeeze %dma_start3A_418 : memref<1x!tpu.dma_semaphore, #tpu.memory_space<semaphore_mem>> -> memref<!tpu.dma_semaphore, #tpu.memory_space<semaphore_mem>>
      tpu.enqueue_indirect_dma source(%dma_start3A_417 : memref<1000x128xf32, #tpu.memory_space<vmem_shared>>) target(%dma_start3A_411 : memref<128x128xf32, #tpu.memory_space<vmem>>) offsets(%dma_start3A_414 : memref<128xi32, #tpu.memory_space<vmem>>) semaphore(%dma_start3A_419 : memref<!tpu.dma_semaphore, #tpu.memory_space<semaphore_mem>>)
      %mul3A_420 = arith.constant 4 : i32
      %mul3A_421 = arith.muli %scan3A_332, %mul3A_420 : i32
      %add3A_422 = arith.constant 1 : i32
      %add3A_423 = arith.addi %mul3A_421, %add3A_422 : i32
      %dma_wait3A_424 = arith.constant 1 : i32
      %dma_wait3A_425 = arith.constant 1 : i32
      %dma_wait3A_426 = arith.constant 0 : i32
      %dma_wait3A_427 = arith.constant 0 : i32
      %dma_wait3A_428 = tpu.memref_slice %arg6[%dma_wait3A_424, %dma_wait3A_426, %dma_wait3A_427] : memref<4x128x128xf32, #tpu.memory_space<vmem>> -> memref<1x128x128xf32, #tpu.memory_space<vmem>>
      %dma_wait3A_429 = tpu.memref_squeeze %dma_wait3A_428 : memref<1x128x128xf32, #tpu.memory_space<vmem>> -> memref<128x128xf32, #tpu.memory_space<vmem>>
      %dma_wait3A_430 = arith.constant 0 : i32
      %dma_wait3A_431 = arith.constant 0 : i32
      %dma_wait3A_432 = tpu.memref_slice %dma_wait3A_429[%dma_wait3A_430, %dma_wait3A_431] : memref<128x128xf32, #tpu.memory_space<vmem>> -> memref<128x128xf32, #tpu.memory_space<vmem>>
      %dma_wait3A_433 = arith.constant 0 : i32
      %dma_wait3A_434 = arith.constant 0 : i32
      %dma_wait3A_435 = tpu.memref_slice %arg2[%dma_wait3A_433, %dma_wait3A_434] : memref<1000x128xf32, #tpu.memory_space<hbm>> -> memref<128x128xf32, #tpu.memory_space<hbm>>
      %dma_wait3A_436 = tpu.memref_slice %arg8[%dma_wait3A_425] : memref<4x!tpu.dma_semaphore, #tpu.memory_space<semaphore_mem>> -> memref<1x!tpu.dma_semaphore, #tpu.memory_space<semaphore_mem>>
      %dma_wait3A_437 = tpu.memref_squeeze %dma_wait3A_436 : memref<1x!tpu.dma_semaphore, #tpu.memory_space<semaphore_mem>> -> memref<!tpu.dma_semaphore, #tpu.memory_space<semaphore_mem>>
      %dma_wait3A_438 = arith.constant 0 : i32
      %dma_wait3A_439 = arith.constant 0 : i32
      %dma_wait3A_440 = tpu.memref_slice %arg6[%dma_wait3A_424, %dma_wait3A_438, %dma_wait3A_439] : memref<4x128x128xf32, #tpu.memory_space<vmem>> -> memref<1x128x128xf32, #tpu.memory_space<vmem>>
      %dma_wait3A_441 = tpu.memref_squeeze %dma_wait3A_440 : memref<1x128x128xf32, #tpu.memory_space<vmem>> -> memref<128x128xf32, #tpu.memory_space<vmem>>
      %dma_wait3A_442 = arith.constant 0 : i32
      %dma_wait3A_443 = arith.constant 0 : i32
      %dma_wait3A_444 = tpu.memref_slice %dma_wait3A_441[%dma_wait3A_442, %dma_wait3A_443] : memref<128x128xf32, #tpu.memory_space<vmem>> -> memref<128x128xf32, #tpu.memory_space<vmem>>
      %dma_wait3A_445 = arith.constant 0 : i32
      %dma_wait3A_446 = arith.constant 0 : i32
      %dma_wait3A_447 = tpu.memref_slice %arg2[%dma_wait3A_445, %dma_wait3A_446] : memref<1000x128xf32, #tpu.memory_space<hbm>> -> memref<128x128xf32, #tpu.memory_space<hbm>>
      tpu.wait_dma2 semaphore(%dma_wait3A_437 : memref<!tpu.dma_semaphore, #tpu.memory_space<semaphore_mem>>) src(%dma_wait3A_447 : memref<128x128xf32, #tpu.memory_space<hbm>>) dst(%dma_wait3A_444 : memref<128x128xf32, #tpu.memory_space<vmem>>)
      %mul3A_448 = arith.constant 128 : i32
      %mul3A_449 = arith.muli %add3A_423, %mul3A_448 : i32
      %add3A_450 = arith.addi %mul3A_4, %mul3A_449 : i32
      %dma_start3A_451 = arith.constant 1 : i32
      %dma_start3A_452 = arith.constant 1 : i32
      %dma_start3A_453 = arith.constant 0 : i32
      %dma_start3A_454 = arith.constant 0 : i32
      %dma_start3A_455 = tpu.memref_slice %arg6[%dma_start3A_451, %dma_start3A_453, %dma_start3A_454] : memref<4x128x128xf32, #tpu.memory_space<vmem>> -> memref<1x128x128xf32, #tpu.memory_space<vmem>>
      %dma_start3A_456 = tpu.memref_squeeze %dma_start3A_455 : memref<1x128x128xf32, #tpu.memory_space<vmem>> -> memref<128x128xf32, #tpu.memory_space<vmem>>
      %dma_start3A_457 = arith.constant 0 : i32
      %dma_start3A_458 = tpu.memref_slice %arg4[%add3A_450, %dma_start3A_457] : memref<819200x128xf32, #tpu.memory_space<hbm>> -> memref<128x128xf32, #tpu.memory_space<hbm>>
      %dma_start3A_459 = tpu.memref_slice %arg9[%dma_start3A_452] : memref<4x!tpu.dma_semaphore, #tpu.memory_space<semaphore_mem>> -> memref<1x!tpu.dma_semaphore, #tpu.memory_space<semaphore_mem>>
      %dma_start3A_460 = tpu.memref_squeeze %dma_start3A_459 : memref<1x!tpu.dma_semaphore, #tpu.memory_space<semaphore_mem>> -> memref<!tpu.dma_semaphore, #tpu.memory_space<semaphore_mem>>
      %dma_start3A_461 = arith.constant 0 : i32
      %dma_start3A_462 = tpu.memref_slice %arg4[%add3A_450, %dma_start3A_461] : memref<819200x128xf32, #tpu.memory_space<hbm>> -> memref<128x128xf32, #tpu.memory_space<hbm>>
      %dma_start3A_463 = arith.constant 0 : i32
      %dma_start3A_464 = arith.constant 0 : i32
      %dma_start3A_465 = tpu.memref_slice %arg6[%dma_start3A_451, %dma_start3A_463, %dma_start3A_464] : memref<4x128x128xf32, #tpu.memory_space<vmem>> -> memref<1x128x128xf32, #tpu.memory_space<vmem>>
      %dma_start3A_466 = tpu.memref_squeeze %dma_start3A_465 : memref<1x128x128xf32, #tpu.memory_space<vmem>> -> memref<128x128xf32, #tpu.memory_space<vmem>>
      tpu.enqueue_dma source(%dma_start3A_466 : memref<128x128xf32, #tpu.memory_space<vmem>>) target(%dma_start3A_462 : memref<128x128xf32, #tpu.memory_space<hbm>>) target_semaphore(%dma_start3A_460 : memref<!tpu.dma_semaphore, #tpu.memory_space<semaphore_mem>>)
      %dma_wait3A_467 = arith.constant 1 : i32
      %dma_wait3A_468 = arith.constant 1 : i32
      %dma_wait3A_469 = arith.constant 0 : i32
      %dma_wait3A_470 = arith.constant 0 : i32
      %dma_wait3A_471 = tpu.memref_slice %arg6[%dma_wait3A_467, %dma_wait3A_469, %dma_wait3A_470] : memref<4x128x128xf32, #tpu.memory_space<vmem>> -> memref<1x128x128xf32, #tpu.memory_space<vmem>>
      %dma_wait3A_472 = tpu.memref_squeeze %dma_wait3A_471 : memref<1x128x128xf32, #tpu.memory_space<vmem>> -> memref<128x128xf32, #tpu.memory_space<vmem>>
      %dma_wait3A_473 = arith.constant 0 : i32
      %dma_wait3A_474 = arith.constant 0 : i32
      %dma_wait3A_475 = tpu.memref_slice %dma_wait3A_472[%dma_wait3A_473, %dma_wait3A_474] : memref<128x128xf32, #tpu.memory_space<vmem>> -> memref<128x128xf32, #tpu.memory_space<vmem>>
      %dma_wait3A_476 = arith.constant 0 : i32
      %dma_wait3A_477 = arith.constant 0 : i32
      %dma_wait3A_478 = tpu.memref_slice %arg2[%dma_wait3A_476, %dma_wait3A_477] : memref<1000x128xf32, #tpu.memory_space<hbm>> -> memref<128x128xf32, #tpu.memory_space<hbm>>
      %dma_wait3A_479 = tpu.memref_slice %arg9[%dma_wait3A_468] : memref<4x!tpu.dma_semaphore, #tpu.memory_space<semaphore_mem>> -> memref<1x!tpu.dma_semaphore, #tpu.memory_space<semaphore_mem>>
      %dma_wait3A_480 = tpu.memref_squeeze %dma_wait3A_479 : memref<1x!tpu.dma_semaphore, #tpu.memory_space<semaphore_mem>> -> memref<!tpu.dma_semaphore, #tpu.memory_space<semaphore_mem>>
      %dma_wait3A_481 = arith.constant 0 : i32
      %dma_wait3A_482 = arith.constant 0 : i32
      %dma_wait3A_483 = tpu.memref_slice %arg6[%dma_wait3A_467, %dma_wait3A_481, %dma_wait3A_482] : memref<4x128x128xf32, #tpu.memory_space<vmem>> -> memref<1x128x128xf32, #tpu.memory_space<vmem>>
      %dma_wait3A_484 = tpu.memref_squeeze %dma_wait3A_483 : memref<1x128x128xf32, #tpu.memory_space<vmem>> -> memref<128x128xf32, #tpu.memory_space<vmem>>
      %dma_wait3A_485 = arith.constant 0 : i32
      %dma_wait3A_486 = arith.constant 0 : i32
      %dma_wait3A_487 = tpu.memref_slice %dma_wait3A_484[%dma_wait3A_485, %dma_wait3A_486] : memref<128x128xf32, #tpu.memory_space<vmem>> -> memref<128x128xf32, #tpu.memory_space<vmem>>
      %dma_wait3A_488 = arith.constant 0 : i32
      %dma_wait3A_489 = arith.constant 0 : i32
      %dma_wait3A_490 = tpu.memref_slice %arg2[%dma_wait3A_488, %dma_wait3A_489] : memref<1000x128xf32, #tpu.memory_space<hbm>> -> memref<128x128xf32, #tpu.memory_space<hbm>>
      tpu.wait_dma2 semaphore(%dma_wait3A_480 : memref<!tpu.dma_semaphore, #tpu.memory_space<semaphore_mem>>) src(%dma_wait3A_490 : memref<128x128xf32, #tpu.memory_space<hbm>>) dst(%dma_wait3A_487 : memref<128x128xf32, #tpu.memory_space<vmem>>)
      %add3A_491 = arith.constant 4 : i32
      %add3A_492 = arith.addi %add3A_423, %add3A_491 : i32
      %dma_start3A_493 = arith.constant 1 : i32
      %dma_start3A_494 = arith.constant 1 : i32
      %dma_start3A_495 = arith.constant 0 : i32
      %dma_start3A_496 = arith.constant 0 : i32
      %dma_start3A_497 = tpu.memref_slice %arg6[%dma_start3A_493, %dma_start3A_495, %dma_start3A_496] : memref<4x128x128xf32, #tpu.memory_space<vmem>> -> memref<1x128x128xf32, #tpu.memory_space<vmem>>
      %dma_start3A_498 = tpu.memref_squeeze %dma_start3A_497 : memref<1x128x128xf32, #tpu.memory_space<vmem>> -> memref<128x128xf32, #tpu.memory_space<vmem>>
      %dma_start3A_499 = arith.constant 0 : i32
      %dma_start3A_500 = tpu.memref_slice %arg5[%add3A_492, %dma_start3A_499] : memref<200x128xi32, #tpu.memory_space<vmem>> -> memref<1x128xi32, #tpu.memory_space<vmem>>
      %dma_start3A_501 = tpu.memref_squeeze %dma_start3A_500 : memref<1x128xi32, #tpu.memory_space<vmem>> -> memref<128xi32, #tpu.memory_space<vmem>>
      %dma_start3A_502 = arith.constant 0 : i32
      %dma_start3A_503 = arith.constant 0 : i32
      %dma_start3A_504 = tpu.memref_slice %arg7[%dma_start3A_502, %dma_start3A_503] : memref<1000x128xf32, #tpu.memory_space<vmem_shared>> -> memref<1000x128xf32, #tpu.memory_space<vmem_shared>>
      %dma_start3A_505 = tpu.memref_slice %arg8[%dma_start3A_494] : memref<4x!tpu.dma_semaphore, #tpu.memory_space<semaphore_mem>> -> memref<1x!tpu.dma_semaphore, #tpu.memory_space<semaphore_mem>>
      %dma_start3A_506 = tpu.memref_squeeze %dma_start3A_505 : memref<1x!tpu.dma_semaphore, #tpu.memory_space<semaphore_mem>> -> memref<!tpu.dma_semaphore, #tpu.memory_space<semaphore_mem>>
      tpu.enqueue_indirect_dma source(%dma_start3A_504 : memref<1000x128xf32, #tpu.memory_space<vmem_shared>>) target(%dma_start3A_498 : memref<128x128xf32, #tpu.memory_space<vmem>>) offsets(%dma_start3A_501 : memref<128xi32, #tpu.memory_space<vmem>>) semaphore(%dma_start3A_506 : memref<!tpu.dma_semaphore, #tpu.memory_space<semaphore_mem>>)
      %mul3A_507 = arith.constant 4 : i32
      %mul3A_508 = arith.muli %scan3A_332, %mul3A_507 : i32
      %add3A_509 = arith.constant 2 : i32
      %add3A_510 = arith.addi %mul3A_508, %add3A_509 : i32
      %dma_wait3A_511 = arith.constant 2 : i32
      %dma_wait3A_512 = arith.constant 2 : i32
      %dma_wait3A_513 = arith.constant 0 : i32
      %dma_wait3A_514 = arith.constant 0 : i32
      %dma_wait3A_515 = tpu.memref_slice %arg6[%dma_wait3A_511, %dma_wait3A_513, %dma_wait3A_514] : memref<4x128x128xf32, #tpu.memory_space<vmem>> -> memref<1x128x128xf32, #tpu.memory_space<vmem>>
      %dma_wait3A_516 = tpu.memref_squeeze %dma_wait3A_515 : memref<1x128x128xf32, #tpu.memory_space<vmem>> -> memref<128x128xf32, #tpu.memory_space<vmem>>
      %dma_wait3A_517 = arith.constant 0 : i32
      %dma_wait3A_518 = arith.constant 0 : i32
      %dma_wait3A_519 = tpu.memref_slice %dma_wait3A_516[%dma_wait3A_517, %dma_wait3A_518] : memref<128x128xf32, #tpu.memory_space<vmem>> -> memref<128x128xf32, #tpu.memory_space<vmem>>
      %dma_wait3A_520 = arith.constant 0 : i32
      %dma_wait3A_521 = arith.constant 0 : i32
      %dma_wait3A_522 = tpu.memref_slice %arg2[%dma_wait3A_520, %dma_wait3A_521] : memref<1000x128xf32, #tpu.memory_space<hbm>> -> memref<128x128xf32, #tpu.memory_space<hbm>>
      %dma_wait3A_523 = tpu.memref_slice %arg8[%dma_wait3A_512] : memref<4x!tpu.dma_semaphore, #tpu.memory_space<semaphore_mem>> -> memref<1x!tpu.dma_semaphore, #tpu.memory_space<semaphore_mem>>
      %dma_wait3A_524 = tpu.memref_squeeze %dma_wait3A_523 : memref<1x!tpu.dma_semaphore, #tpu.memory_space<semaphore_mem>> -> memref<!tpu.dma_semaphore, #tpu.memory_space<semaphore_mem>>
      %dma_wait3A_525 = arith.constant 0 : i32
      %dma_wait3A_526 = arith.constant 0 : i32
      %dma_wait3A_527 = tpu.memref_slice %arg6[%dma_wait3A_511, %dma_wait3A_525, %dma_wait3A_526] : memref<4x128x128xf32, #tpu.memory_space<vmem>> -> memref<1x128x128xf32, #tpu.memory_space<vmem>>
      %dma_wait3A_528 = tpu.memref_squeeze %dma_wait3A_527 : memref<1x128x128xf32, #tpu.memory_space<vmem>> -> memref<128x128xf32, #tpu.memory_space<vmem>>
      %dma_wait3A_529 = arith.constant 0 : i32
      %dma_wait3A_530 = arith.constant 0 : i32
      %dma_wait3A_531 = tpu.memref_slice %dma_wait3A_528[%dma_wait3A_529, %dma_wait3A_530] : memref<128x128xf32, #tpu.memory_space<vmem>> -> memref<128x128xf32, #tpu.memory_space<vmem>>
      %dma_wait3A_532 = arith.constant 0 : i32
      %dma_wait3A_533 = arith.constant 0 : i32
      %dma_wait3A_534 = tpu.memref_slice %arg2[%dma_wait3A_532, %dma_wait3A_533] : memref<1000x128xf32, #tpu.memory_space<hbm>> -> memref<128x128xf32, #tpu.memory_space<hbm>>
      tpu.wait_dma2 semaphore(%dma_wait3A_524 : memref<!tpu.dma_semaphore, #tpu.memory_space<semaphore_mem>>) src(%dma_wait3A_534 : memref<128x128xf32, #tpu.memory_space<hbm>>) dst(%dma_wait3A_531 : memref<128x128xf32, #tpu.memory_space<vmem>>)
      %mul3A_535 = arith.constant 128 : i32
      %mul3A_536 = arith.muli %add3A_510, %mul3A_535 : i32
      %add3A_537 = arith.addi %mul3A_4, %mul3A_536 : i32
      %dma_start3A_538 = arith.constant 2 : i32
      %dma_start3A_539 = arith.constant 2 : i32
      %dma_start3A_540 = arith.constant 0 : i32
      %dma_start3A_541 = arith.constant 0 : i32
      %dma_start3A_542 = tpu.memref_slice %arg6[%dma_start3A_538, %dma_start3A_540, %dma_start3A_541] : memref<4x128x128xf32, #tpu.memory_space<vmem>> -> memref<1x128x128xf32, #tpu.memory_space<vmem>>
      %dma_start3A_543 = tpu.memref_squeeze %dma_start3A_542 : memref<1x128x128xf32, #tpu.memory_space<vmem>> -> memref<128x128xf32, #tpu.memory_space<vmem>>
      %dma_start3A_544 = arith.constant 0 : i32
      %dma_start3A_545 = tpu.memref_slice %arg4[%add3A_537, %dma_start3A_544] : memref<819200x128xf32, #tpu.memory_space<hbm>> -> memref<128x128xf32, #tpu.memory_space<hbm>>
      %dma_start3A_546 = tpu.memref_slice %arg9[%dma_start3A_539] : memref<4x!tpu.dma_semaphore, #tpu.memory_space<semaphore_mem>> -> memref<1x!tpu.dma_semaphore, #tpu.memory_space<semaphore_mem>>
      %dma_start3A_547 = tpu.memref_squeeze %dma_start3A_546 : memref<1x!tpu.dma_semaphore, #tpu.memory_space<semaphore_mem>> -> memref<!tpu.dma_semaphore, #tpu.memory_space<semaphore_mem>>
      %dma_start3A_548 = arith.constant 0 : i32
      %dma_start3A_549 = tpu.memref_slice %arg4[%add3A_537, %dma_start3A_548] : memref<819200x128xf32, #tpu.memory_space<hbm>> -> memref<128x128xf32, #tpu.memory_space<hbm>>
      %dma_start3A_550 = arith.constant 0 : i32
      %dma_start3A_551 = arith.constant 0 : i32
      %dma_start3A_552 = tpu.memref_slice %arg6[%dma_start3A_538, %dma_start3A_550, %dma_start3A_551] : memref<4x128x128xf32, #tpu.memory_space<vmem>> -> memref<1x128x128xf32, #tpu.memory_space<vmem>>
      %dma_start3A_553 = tpu.memref_squeeze %dma_start3A_552 : memref<1x128x128xf32, #tpu.memory_space<vmem>> -> memref<128x128xf32, #tpu.memory_space<vmem>>
      tpu.enqueue_dma source(%dma_start3A_553 : memref<128x128xf32, #tpu.memory_space<vmem>>) target(%dma_start3A_549 : memref<128x128xf32, #tpu.memory_space<hbm>>) target_semaphore(%dma_start3A_547 : memref<!tpu.dma_semaphore, #tpu.memory_space<semaphore_mem>>)
      %dma_wait3A_554 = arith.constant 2 : i32
      %dma_wait3A_555 = arith.constant 2 : i32
      %dma_wait3A_556 = arith.constant 0 : i32
      %dma_wait3A_557 = arith.constant 0 : i32
      %dma_wait3A_558 = tpu.memref_slice %arg6[%dma_wait3A_554, %dma_wait3A_556, %dma_wait3A_557] : memref<4x128x128xf32, #tpu.memory_space<vmem>> -> memref<1x128x128xf32, #tpu.memory_space<vmem>>
      %dma_wait3A_559 = tpu.memref_squeeze %dma_wait3A_558 : memref<1x128x128xf32, #tpu.memory_space<vmem>> -> memref<128x128xf32, #tpu.memory_space<vmem>>
      %dma_wait3A_560 = arith.constant 0 : i32
      %dma_wait3A_561 = arith.constant 0 : i32
      %dma_wait3A_562 = tpu.memref_slice %dma_wait3A_559[%dma_wait3A_560, %dma_wait3A_561] : memref<128x128xf32, #tpu.memory_space<vmem>> -> memref<128x128xf32, #tpu.memory_space<vmem>>
      %dma_wait3A_563 = arith.constant 0 : i32
      %dma_wait3A_564 = arith.constant 0 : i32
      %dma_wait3A_565 = tpu.memref_slice %arg2[%dma_wait3A_563, %dma_wait3A_564] : memref<1000x128xf32, #tpu.memory_space<hbm>> -> memref<128x128xf32, #tpu.memory_space<hbm>>
      %dma_wait3A_566 = tpu.memref_slice %arg9[%dma_wait3A_555] : memref<4x!tpu.dma_semaphore, #tpu.memory_space<semaphore_mem>> -> memref<1x!tpu.dma_semaphore, #tpu.memory_space<semaphore_mem>>
      %dma_wait3A_567 = tpu.memref_squeeze %dma_wait3A_566 : memref<1x!tpu.dma_semaphore, #tpu.memory_space<semaphore_mem>> -> memref<!tpu.dma_semaphore, #tpu.memory_space<semaphore_mem>>
      %dma_wait3A_568 = arith.constant 0 : i32
      %dma_wait3A_569 = arith.constant 0 : i32
      %dma_wait3A_570 = tpu.memref_slice %arg6[%dma_wait3A_554, %dma_wait3A_568, %dma_wait3A_569] : memref<4x128x128xf32, #tpu.memory_space<vmem>> -> memref<1x128x128xf32, #tpu.memory_space<vmem>>
      %dma_wait3A_571 = tpu.memref_squeeze %dma_wait3A_570 : memref<1x128x128xf32, #tpu.memory_space<vmem>> -> memref<128x128xf32, #tpu.memory_space<vmem>>
      %dma_wait3A_572 = arith.constant 0 : i32
      %dma_wait3A_573 = arith.constant 0 : i32
      %dma_wait3A_574 = tpu.memref_slice %dma_wait3A_571[%dma_wait3A_572, %dma_wait3A_573] : memref<128x128xf32, #tpu.memory_space<vmem>> -> memref<128x128xf32, #tpu.memory_space<vmem>>
      %dma_wait3A_575 = arith.constant 0 : i32
      %dma_wait3A_576 = arith.constant 0 : i32
      %dma_wait3A_577 = tpu.memref_slice %arg2[%dma_wait3A_575, %dma_wait3A_576] : memref<1000x128xf32, #tpu.memory_space<hbm>> -> memref<128x128xf32, #tpu.memory_space<hbm>>
      tpu.wait_dma2 semaphore(%dma_wait3A_567 : memref<!tpu.dma_semaphore, #tpu.memory_space<semaphore_mem>>) src(%dma_wait3A_577 : memref<128x128xf32, #tpu.memory_space<hbm>>) dst(%dma_wait3A_574 : memref<128x128xf32, #tpu.memory_space<vmem>>)
      %add3A_578 = arith.constant 4 : i32
      %add3A_579 = arith.addi %add3A_510, %add3A_578 : i32
      %dma_start3A_580 = arith.constant 2 : i32
      %dma_start3A_581 = arith.constant 2 : i32
      %dma_start3A_582 = arith.constant 0 : i32
      %dma_start3A_583 = arith.constant 0 : i32
      %dma_start3A_584 = tpu.memref_slice %arg6[%dma_start3A_580, %dma_start3A_582, %dma_start3A_583] : memref<4x128x128xf32, #tpu.memory_space<vmem>> -> memref<1x128x128xf32, #tpu.memory_space<vmem>>
      %dma_start3A_585 = tpu.memref_squeeze %dma_start3A_584 : memref<1x128x128xf32, #tpu.memory_space<vmem>> -> memref<128x128xf32, #tpu.memory_space<vmem>>
      %dma_start3A_586 = arith.constant 0 : i32
      %dma_start3A_587 = tpu.memref_slice %arg5[%add3A_579, %dma_start3A_586] : memref<200x128xi32, #tpu.memory_space<vmem>> -> memref<1x128xi32, #tpu.memory_space<vmem>>
      %dma_start3A_588 = tpu.memref_squeeze %dma_start3A_587 : memref<1x128xi32, #tpu.memory_space<vmem>> -> memref<128xi32, #tpu.memory_space<vmem>>
      %dma_start3A_589 = arith.constant 0 : i32
      %dma_start3A_590 = arith.constant 0 : i32
      %dma_start3A_591 = tpu.memref_slice %arg7[%dma_start3A_589, %dma_start3A_590] : memref<1000x128xf32, #tpu.memory_space<vmem_shared>> -> memref<1000x128xf32, #tpu.memory_space<vmem_shared>>
      %dma_start3A_592 = tpu.memref_slice %arg8[%dma_start3A_581] : memref<4x!tpu.dma_semaphore, #tpu.memory_space<semaphore_mem>> -> memref<1x!tpu.dma_semaphore, #tpu.memory_space<semaphore_mem>>
      %dma_start3A_593 = tpu.memref_squeeze %dma_start3A_592 : memref<1x!tpu.dma_semaphore, #tpu.memory_space<semaphore_mem>> -> memref<!tpu.dma_semaphore, #tpu.memory_space<semaphore_mem>>
      tpu.enqueue_indirect_dma source(%dma_start3A_591 : memref<1000x128xf32, #tpu.memory_space<vmem_shared>>) target(%dma_start3A_585 : memref<128x128xf32, #tpu.memory_space<vmem>>) offsets(%dma_start3A_588 : memref<128xi32, #tpu.memory_space<vmem>>) semaphore(%dma_start3A_593 : memref<!tpu.dma_semaphore, #tpu.memory_space<semaphore_mem>>)
      %mul3A_594 = arith.constant 4 : i32
      %mul3A_595 = arith.muli %scan3A_332, %mul3A_594 : i32
      %add3A_596 = arith.constant 3 : i32
      %add3A_597 = arith.addi %mul3A_595, %add3A_596 : i32
      %dma_wait3A_598 = arith.constant 3 : i32
      %dma_wait3A_599 = arith.constant 3 : i32
      %dma_wait3A_600 = arith.constant 0 : i32
      %dma_wait3A_601 = arith.constant 0 : i32
      %dma_wait3A_602 = tpu.memref_slice %arg6[%dma_wait3A_598, %dma_wait3A_600, %dma_wait3A_601] : memref<4x128x128xf32, #tpu.memory_space<vmem>> -> memref<1x128x128xf32, #tpu.memory_space<vmem>>
      %dma_wait3A_603 = tpu.memref_squeeze %dma_wait3A_602 : memref<1x128x128xf32, #tpu.memory_space<vmem>> -> memref<128x128xf32, #tpu.memory_space<vmem>>
      %dma_wait3A_604 = arith.constant 0 : i32
      %dma_wait3A_605 = arith.constant 0 : i32
      %dma_wait3A_606 = tpu.memref_slice %dma_wait3A_603[%dma_wait3A_604, %dma_wait3A_605] : memref<128x128xf32, #tpu.memory_space<vmem>> -> memref<128x128xf32, #tpu.memory_space<vmem>>
      %dma_wait3A_607 = arith.constant 0 : i32
      %dma_wait3A_608 = arith.constant 0 : i32
      %dma_wait3A_609 = tpu.memref_slice %arg2[%dma_wait3A_607, %dma_wait3A_608] : memref<1000x128xf32, #tpu.memory_space<hbm>> -> memref<128x128xf32, #tpu.memory_space<hbm>>
      %dma_wait3A_610 = tpu.memref_slice %arg8[%dma_wait3A_599] : memref<4x!tpu.dma_semaphore, #tpu.memory_space<semaphore_mem>> -> memref<1x!tpu.dma_semaphore, #tpu.memory_space<semaphore_mem>>
      %dma_wait3A_611 = tpu.memref_squeeze %dma_wait3A_610 : memref<1x!tpu.dma_semaphore, #tpu.memory_space<semaphore_mem>> -> memref<!tpu.dma_semaphore, #tpu.memory_space<semaphore_mem>>
      %dma_wait3A_612 = arith.constant 0 : i32
      %dma_wait3A_613 = arith.constant 0 : i32
      %dma_wait3A_614 = tpu.memref_slice %arg6[%dma_wait3A_598, %dma_wait3A_612, %dma_wait3A_613] : memref<4x128x128xf32, #tpu.memory_space<vmem>> -> memref<1x128x128xf32, #tpu.memory_space<vmem>>
      %dma_wait3A_615 = tpu.memref_squeeze %dma_wait3A_614 : memref<1x128x128xf32, #tpu.memory_space<vmem>> -> memref<128x128xf32, #tpu.memory_space<vmem>>
      %dma_wait3A_616 = arith.constant 0 : i32
      %dma_wait3A_617 = arith.constant 0 : i32
      %dma_wait3A_618 = tpu.memref_slice %dma_wait3A_615[%dma_wait3A_616, %dma_wait3A_617] : memref<128x128xf32, #tpu.memory_space<vmem>> -> memref<128x128xf32, #tpu.memory_space<vmem>>
      %dma_wait3A_619 = arith.constant 0 : i32
      %dma_wait3A_620 = arith.constant 0 : i32
      %dma_wait3A_621 = tpu.memref_slice %arg2[%dma_wait3A_619, %dma_wait3A_620] : memref<1000x128xf32, #tpu.memory_space<hbm>> -> memref<128x128xf32, #tpu.memory_space<hbm>>
      tpu.wait_dma2 semaphore(%dma_wait3A_611 : memref<!tpu.dma_semaphore, #tpu.memory_space<semaphore_mem>>) src(%dma_wait3A_621 : memref<128x128xf32, #tpu.memory_space<hbm>>) dst(%dma_wait3A_618 : memref<128x128xf32, #tpu.memory_space<vmem>>)
      %mul3A_622 = arith.constant 128 : i32
      %mul3A_623 = arith.muli %add3A_597, %mul3A_622 : i32
      %add3A_624 = arith.addi %mul3A_4, %mul3A_623 : i32
      %dma_start3A_625 = arith.constant 3 : i32
      %dma_start3A_626 = arith.constant 3 : i32
      %dma_start3A_627 = arith.constant 0 : i32
      %dma_start3A_628 = arith.constant 0 : i32
      %dma_start3A_629 = tpu.memref_slice %arg6[%dma_start3A_625, %dma_start3A_627, %dma_start3A_628] : memref<4x128x128xf32, #tpu.memory_space<vmem>> -> memref<1x128x128xf32, #tpu.memory_space<vmem>>
      %dma_start3A_630 = tpu.memref_squeeze %dma_start3A_629 : memref<1x128x128xf32, #tpu.memory_space<vmem>> -> memref<128x128xf32, #tpu.memory_space<vmem>>
      %dma_start3A_631 = arith.constant 0 : i32
      %dma_start3A_632 = tpu.memref_slice %arg4[%add3A_624, %dma_start3A_631] : memref<819200x128xf32, #tpu.memory_space<hbm>> -> memref<128x128xf32, #tpu.memory_space<hbm>>
      %dma_start3A_633 = tpu.memref_slice %arg9[%dma_start3A_626] : memref<4x!tpu.dma_semaphore, #tpu.memory_space<semaphore_mem>> -> memref<1x!tpu.dma_semaphore, #tpu.memory_space<semaphore_mem>>
      %dma_start3A_634 = tpu.memref_squeeze %dma_start3A_633 : memref<1x!tpu.dma_semaphore, #tpu.memory_space<semaphore_mem>> -> memref<!tpu.dma_semaphore, #tpu.memory_space<semaphore_mem>>
      %dma_start3A_635 = arith.constant 0 : i32
      %dma_start3A_636 = tpu.memref_slice %arg4[%add3A_624, %dma_start3A_635] : memref<819200x128xf32, #tpu.memory_space<hbm>> -> memref<128x128xf32, #tpu.memory_space<hbm>>
      %dma_start3A_637 = arith.constant 0 : i32
      %dma_start3A_638 = arith.constant 0 : i32
      %dma_start3A_639 = tpu.memref_slice %arg6[%dma_start3A_625, %dma_start3A_637, %dma_start3A_638] : memref<4x128x128xf32, #tpu.memory_space<vmem>> -> memref<1x128x128xf32, #tpu.memory_space<vmem>>
      %dma_start3A_640 = tpu.memref_squeeze %dma_start3A_639 : memref<1x128x128xf32, #tpu.memory_space<vmem>> -> memref<128x128xf32, #tpu.memory_space<vmem>>
      tpu.enqueue_dma source(%dma_start3A_640 : memref<128x128xf32, #tpu.memory_space<vmem>>) target(%dma_start3A_636 : memref<128x128xf32, #tpu.memory_space<hbm>>) target_semaphore(%dma_start3A_634 : memref<!tpu.dma_semaphore, #tpu.memory_space<semaphore_mem>>)
      %dma_wait3A_641 = arith.constant 3 : i32
      %dma_wait3A_642 = arith.constant 3 : i32
      %dma_wait3A_643 = arith.constant 0 : i32
      %dma_wait3A_644 = arith.constant 0 : i32
      %dma_wait3A_645 = tpu.memref_slice %arg6[%dma_wait3A_641, %dma_wait3A_643, %dma_wait3A_644] : memref<4x128x128xf32, #tpu.memory_space<vmem>> -> memref<1x128x128xf32, #tpu.memory_space<vmem>>
      %dma_wait3A_646 = tpu.memref_squeeze %dma_wait3A_645 : memref<1x128x128xf32, #tpu.memory_space<vmem>> -> memref<128x128xf32, #tpu.memory_space<vmem>>
      %dma_wait3A_647 = arith.constant 0 : i32
      %dma_wait3A_648 = arith.constant 0 : i32
      %dma_wait3A_649 = tpu.memref_slice %dma_wait3A_646[%dma_wait3A_647, %dma_wait3A_648] : memref<128x128xf32, #tpu.memory_space<vmem>> -> memref<128x128xf32, #tpu.memory_space<vmem>>
      %dma_wait3A_650 = arith.constant 0 : i32
      %dma_wait3A_651 = arith.constant 0 : i32
      %dma_wait3A_652 = tpu.memref_slice %arg2[%dma_wait3A_650, %dma_wait3A_651] : memref<1000x128xf32, #tpu.memory_space<hbm>> -> memref<128x128xf32, #tpu.memory_space<hbm>>
      %dma_wait3A_653 = tpu.memref_slice %arg9[%dma_wait3A_642] : memref<4x!tpu.dma_semaphore, #tpu.memory_space<semaphore_mem>> -> memref<1x!tpu.dma_semaphore, #tpu.memory_space<semaphore_mem>>
      %dma_wait3A_654 = tpu.memref_squeeze %dma_wait3A_653 : memref<1x!tpu.dma_semaphore, #tpu.memory_space<semaphore_mem>> -> memref<!tpu.dma_semaphore, #tpu.memory_space<semaphore_mem>>
      %dma_wait3A_655 = arith.constant 0 : i32
      %dma_wait3A_656 = arith.constant 0 : i32
      %dma_wait3A_657 = tpu.memref_slice %arg6[%dma_wait3A_641, %dma_wait3A_655, %dma_wait3A_656] : memref<4x128x128xf32, #tpu.memory_space<vmem>> -> memref<1x128x128xf32, #tpu.memory_space<vmem>>
      %dma_wait3A_658 = tpu.memref_squeeze %dma_wait3A_657 : memref<1x128x128xf32, #tpu.memory_space<vmem>> -> memref<128x128xf32, #tpu.memory_space<vmem>>
      %dma_wait3A_659 = arith.constant 0 : i32
      %dma_wait3A_660 = arith.constant 0 : i32
      %dma_wait3A_661 = tpu.memref_slice %dma_wait3A_658[%dma_wait3A_659, %dma_wait3A_660] : memref<128x128xf32, #tpu.memory_space<vmem>> -> memref<128x128xf32, #tpu.memory_space<vmem>>
      %dma_wait3A_662 = arith.constant 0 : i32
      %dma_wait3A_663 = arith.constant 0 : i32
      %dma_wait3A_664 = tpu.memref_slice %arg2[%dma_wait3A_662, %dma_wait3A_663] : memref<1000x128xf32, #tpu.memory_space<hbm>> -> memref<128x128xf32, #tpu.memory_space<hbm>>
      tpu.wait_dma2 semaphore(%dma_wait3A_654 : memref<!tpu.dma_semaphore, #tpu.memory_space<semaphore_mem>>) src(%dma_wait3A_664 : memref<128x128xf32, #tpu.memory_space<hbm>>) dst(%dma_wait3A_661 : memref<128x128xf32, #tpu.memory_space<vmem>>)
      %add3A_665 = arith.constant 4 : i32
      %add3A_666 = arith.addi %add3A_597, %add3A_665 : i32
      %dma_start3A_667 = arith.constant 3 : i32
      %dma_start3A_668 = arith.constant 3 : i32
      %dma_start3A_669 = arith.constant 0 : i32
      %dma_start3A_670 = arith.constant 0 : i32
      %dma_start3A_671 = tpu.memref_slice %arg6[%dma_start3A_667, %dma_start3A_669, %dma_start3A_670] : memref<4x128x128xf32, #tpu.memory_space<vmem>> -> memref<1x128x128xf32, #tpu.memory_space<vmem>>
      %dma_start3A_672 = tpu.memref_squeeze %dma_start3A_671 : memref<1x128x128xf32, #tpu.memory_space<vmem>> -> memref<128x128xf32, #tpu.memory_space<vmem>>
      %dma_start3A_673 = arith.constant 0 : i32
      %dma_start3A_674 = tpu.memref_slice %arg5[%add3A_666, %dma_start3A_673] : memref<200x128xi32, #tpu.memory_space<vmem>> -> memref<1x128xi32, #tpu.memory_space<vmem>>
      %dma_start3A_675 = tpu.memref_squeeze %dma_start3A_674 : memref<1x128xi32, #tpu.memory_space<vmem>> -> memref<128xi32, #tpu.memory_space<vmem>>
      %dma_start3A_676 = arith.constant 0 : i32
      %dma_start3A_677 = arith.constant 0 : i32
      %dma_start3A_678 = tpu.memref_slice %arg7[%dma_start3A_676, %dma_start3A_677] : memref<1000x128xf32, #tpu.memory_space<vmem_shared>> -> memref<1000x128xf32, #tpu.memory_space<vmem_shared>>
      %dma_start3A_679 = tpu.memref_slice %arg8[%dma_start3A_668] : memref<4x!tpu.dma_semaphore, #tpu.memory_space<semaphore_mem>> -> memref<1x!tpu.dma_semaphore, #tpu.memory_space<semaphore_mem>>
      %dma_start3A_680 = tpu.memref_squeeze %dma_start3A_679 : memref<1x!tpu.dma_semaphore, #tpu.memory_space<semaphore_mem>> -> memref<!tpu.dma_semaphore, #tpu.memory_space<semaphore_mem>>
      tpu.enqueue_indirect_dma source(%dma_start3A_678 : memref<1000x128xf32, #tpu.memory_space<vmem_shared>>) target(%dma_start3A_672 : memref<128x128xf32, #tpu.memory_space<vmem>>) offsets(%dma_start3A_675 : memref<128xi32, #tpu.memory_space<vmem>>) semaphore(%dma_start3A_680 : memref<!tpu.dma_semaphore, #tpu.memory_space<semaphore_mem>>)
    }
    %scan3A_68 = arith.constant 49 : i32
    %dma_wait3A = arith.constant 0 : i32
    %dma_wait3A_69 = arith.constant 0 : i32
    %dma_wait3A_70 = arith.constant 0 : i32
    %dma_wait3A_71 = arith.constant 0 : i32
    %dma_wait3A_72 = tpu.memref_slice %arg6[%dma_wait3A, %dma_wait3A_70, %dma_wait3A_71] : memref<4x128x128xf32, #tpu.memory_space<vmem>> -> memref<1x128x128xf32, #tpu.memory_space<vmem>>
    %dma_wait3A_73 = tpu.memref_squeeze %dma_wait3A_72 : memref<1x128x128xf32, #tpu.memory_space<vmem>> -> memref<128x128xf32, #tpu.memory_space<vmem>>
    %dma_wait3A_74 = arith.constant 0 : i32
    %dma_wait3A_75 = arith.constant 0 : i32
    %dma_wait3A_76 = tpu.memref_slice %dma_wait3A_73[%dma_wait3A_74, %dma_wait3A_75] : memref<128x128xf32, #tpu.memory_space<vmem>> -> memref<128x128xf32, #tpu.memory_space<vmem>>
    %dma_wait3A_77 = arith.constant 0 : i32
    %dma_wait3A_78 = arith.constant 0 : i32
    %dma_wait3A_79 = tpu.memref_slice %arg2[%dma_wait3A_77, %dma_wait3A_78] : memref<1000x128xf32, #tpu.memory_space<hbm>> -> memref<128x128xf32, #tpu.memory_space<hbm>>
    %dma_wait3A_80 = tpu.memref_slice %arg8[%dma_wait3A_69] : memref<4x!tpu.dma_semaphore, #tpu.memory_space<semaphore_mem>> -> memref<1x!tpu.dma_semaphore, #tpu.memory_space<semaphore_mem>>
    %dma_wait3A_81 = tpu.memref_squeeze %dma_wait3A_80 : memref<1x!tpu.dma_semaphore, #tpu.memory_space<semaphore_mem>> -> memref<!tpu.dma_semaphore, #tpu.memory_space<semaphore_mem>>
    %dma_wait3A_82 = arith.constant 0 : i32
    %dma_wait3A_83 = arith.constant 0 : i32
    %dma_wait3A_84 = tpu.memref_slice %arg6[%dma_wait3A, %dma_wait3A_82, %dma_wait3A_83] : memref<4x128x128xf32, #tpu.memory_space<vmem>> -> memref<1x128x128xf32, #tpu.memory_space<vmem>>
    %dma_wait3A_85 = tpu.memref_squeeze %dma_wait3A_84 : memref<1x128x128xf32, #tpu.memory_space<vmem>> -> memref<128x128xf32, #tpu.memory_space<vmem>>
    %dma_wait3A_86 = arith.constant 0 : i32
    %dma_wait3A_87 = arith.constant 0 : i32
    %dma_wait3A_88 = tpu.memref_slice %dma_wait3A_85[%dma_wait3A_86, %dma_wait3A_87] : memref<128x128xf32, #tpu.memory_space<vmem>> -> memref<128x128xf32, #tpu.memory_space<vmem>>
    %dma_wait3A_89 = arith.constant 0 : i32
    %dma_wait3A_90 = arith.constant 0 : i32
    %dma_wait3A_91 = tpu.memref_slice %arg2[%dma_wait3A_89, %dma_wait3A_90] : memref<1000x128xf32, #tpu.memory_space<hbm>> -> memref<128x128xf32, #tpu.memory_space<hbm>>
    tpu.wait_dma2 semaphore(%dma_wait3A_81 : memref<!tpu.dma_semaphore, #tpu.memory_space<semaphore_mem>>) src(%dma_wait3A_91 : memref<128x128xf32, #tpu.memory_space<hbm>>) dst(%dma_wait3A_88 : memref<128x128xf32, #tpu.memory_space<vmem>>)
    %add3A_92 = arith.constant 25088 : i32
    %add3A_93 = arith.addi %mul3A_4, %add3A_92 : i32
    %dma_start3A_94 = arith.constant 0 : i32
    %dma_start3A_95 = arith.constant 0 : i32
    %dma_start3A_96 = arith.constant 0 : i32
    %dma_start3A_97 = arith.constant 0 : i32
    %dma_start3A_98 = tpu.memref_slice %arg6[%dma_start3A_94, %dma_start3A_96, %dma_start3A_97] : memref<4x128x128xf32, #tpu.memory_space<vmem>> -> memref<1x128x128xf32, #tpu.memory_space<vmem>>
    %dma_start3A_99 = tpu.memref_squeeze %dma_start3A_98 : memref<1x128x128xf32, #tpu.memory_space<vmem>> -> memref<128x128xf32, #tpu.memory_space<vmem>>
    %dma_start3A_100 = arith.constant 0 : i32
    %dma_start3A_101 = tpu.memref_slice %arg4[%add3A_93, %dma_start3A_100] : memref<819200x128xf32, #tpu.memory_space<hbm>> -> memref<128x128xf32, #tpu.memory_space<hbm>>
    %dma_start3A_102 = tpu.memref_slice %arg9[%dma_start3A_95] : memref<4x!tpu.dma_semaphore, #tpu.memory_space<semaphore_mem>> -> memref<1x!tpu.dma_semaphore, #tpu.memory_space<semaphore_mem>>
    %dma_start3A_103 = tpu.memref_squeeze %dma_start3A_102 : memref<1x!tpu.dma_semaphore, #tpu.memory_space<semaphore_mem>> -> memref<!tpu.dma_semaphore, #tpu.memory_space<semaphore_mem>>
    %dma_start3A_104 = arith.constant 0 : i32
    %dma_start3A_105 = tpu.memref_slice %arg4[%add3A_93, %dma_start3A_104] : memref<819200x128xf32, #tpu.memory_space<hbm>> -> memref<128x128xf32, #tpu.memory_space<hbm>>
    %dma_start3A_106 = arith.constant 0 : i32
    %dma_start3A_107 = arith.constant 0 : i32
    %dma_start3A_108 = tpu.memref_slice %arg6[%dma_start3A_94, %dma_start3A_106, %dma_start3A_107] : memref<4x128x128xf32, #tpu.memory_space<vmem>> -> memref<1x128x128xf32, #tpu.memory_space<vmem>>
    %dma_start3A_109 = tpu.memref_squeeze %dma_start3A_108 : memref<1x128x128xf32, #tpu.memory_space<vmem>> -> memref<128x128xf32, #tpu.memory_space<vmem>>
    tpu.enqueue_dma source(%dma_start3A_109 : memref<128x128xf32, #tpu.memory_space<vmem>>) target(%dma_start3A_105 : memref<128x128xf32, #tpu.memory_space<hbm>>) target_semaphore(%dma_start3A_103 : memref<!tpu.dma_semaphore, #tpu.memory_space<semaphore_mem>>)
    %dma_wait3A_110 = arith.constant 1 : i32
    %dma_wait3A_111 = arith.constant 1 : i32
    %dma_wait3A_112 = arith.constant 0 : i32
    %dma_wait3A_113 = arith.constant 0 : i32
    %dma_wait3A_114 = tpu.memref_slice %arg6[%dma_wait3A_110, %dma_wait3A_112, %dma_wait3A_113] : memref<4x128x128xf32, #tpu.memory_space<vmem>> -> memref<1x128x128xf32, #tpu.memory_space<vmem>>
    %dma_wait3A_115 = tpu.memref_squeeze %dma_wait3A_114 : memref<1x128x128xf32, #tpu.memory_space<vmem>> -> memref<128x128xf32, #tpu.memory_space<vmem>>
    %dma_wait3A_116 = arith.constant 0 : i32
    %dma_wait3A_117 = arith.constant 0 : i32
    %dma_wait3A_118 = tpu.memref_slice %dma_wait3A_115[%dma_wait3A_116, %dma_wait3A_117] : memref<128x128xf32, #tpu.memory_space<vmem>> -> memref<128x128xf32, #tpu.memory_space<vmem>>
    %dma_wait3A_119 = arith.constant 0 : i32
    %dma_wait3A_120 = arith.constant 0 : i32
    %dma_wait3A_121 = tpu.memref_slice %arg2[%dma_wait3A_119, %dma_wait3A_120] : memref<1000x128xf32, #tpu.memory_space<hbm>> -> memref<128x128xf32, #tpu.memory_space<hbm>>
    %dma_wait3A_122 = tpu.memref_slice %arg8[%dma_wait3A_111] : memref<4x!tpu.dma_semaphore, #tpu.memory_space<semaphore_mem>> -> memref<1x!tpu.dma_semaphore, #tpu.memory_space<semaphore_mem>>
    %dma_wait3A_123 = tpu.memref_squeeze %dma_wait3A_122 : memref<1x!tpu.dma_semaphore, #tpu.memory_space<semaphore_mem>> -> memref<!tpu.dma_semaphore, #tpu.memory_space<semaphore_mem>>
    %dma_wait3A_124 = arith.constant 0 : i32
    %dma_wait3A_125 = arith.constant 0 : i32
    %dma_wait3A_126 = tpu.memref_slice %arg6[%dma_wait3A_110, %dma_wait3A_124, %dma_wait3A_125] : memref<4x128x128xf32, #tpu.memory_space<vmem>> -> memref<1x128x128xf32, #tpu.memory_space<vmem>>
    %dma_wait3A_127 = tpu.memref_squeeze %dma_wait3A_126 : memref<1x128x128xf32, #tpu.memory_space<vmem>> -> memref<128x128xf32, #tpu.memory_space<vmem>>
    %dma_wait3A_128 = arith.constant 0 : i32
    %dma_wait3A_129 = arith.constant 0 : i32
    %dma_wait3A_130 = tpu.memref_slice %dma_wait3A_127[%dma_wait3A_128, %dma_wait3A_129] : memref<128x128xf32, #tpu.memory_space<vmem>> -> memref<128x128xf32, #tpu.memory_space<vmem>>
    %dma_wait3A_131 = arith.constant 0 : i32
    %dma_wait3A_132 = arith.constant 0 : i32
    %dma_wait3A_133 = tpu.memref_slice %arg2[%dma_wait3A_131, %dma_wait3A_132] : memref<1000x128xf32, #tpu.memory_space<hbm>> -> memref<128x128xf32, #tpu.memory_space<hbm>>
    tpu.wait_dma2 semaphore(%dma_wait3A_123 : memref<!tpu.dma_semaphore, #tpu.memory_space<semaphore_mem>>) src(%dma_wait3A_133 : memref<128x128xf32, #tpu.memory_space<hbm>>) dst(%dma_wait3A_130 : memref<128x128xf32, #tpu.memory_space<vmem>>)
    %add3A_134 = arith.constant 25216 : i32
    %add3A_135 = arith.addi %mul3A_4, %add3A_134 : i32
    %dma_start3A_136 = arith.constant 1 : i32
    %dma_start3A_137 = arith.constant 1 : i32
    %dma_start3A_138 = arith.constant 0 : i32
    %dma_start3A_139 = arith.constant 0 : i32
    %dma_start3A_140 = tpu.memref_slice %arg6[%dma_start3A_136, %dma_start3A_138, %dma_start3A_139] : memref<4x128x128xf32, #tpu.memory_space<vmem>> -> memref<1x128x128xf32, #tpu.memory_space<vmem>>
    %dma_start3A_141 = tpu.memref_squeeze %dma_start3A_140 : memref<1x128x128xf32, #tpu.memory_space<vmem>> -> memref<128x128xf32, #tpu.memory_space<vmem>>
    %dma_start3A_142 = arith.constant 0 : i32
    %dma_start3A_143 = tpu.memref_slice %arg4[%add3A_135, %dma_start3A_142] : memref<819200x128xf32, #tpu.memory_space<hbm>> -> memref<128x128xf32, #tpu.memory_space<hbm>>
    %dma_start3A_144 = tpu.memref_slice %arg9[%dma_start3A_137] : memref<4x!tpu.dma_semaphore, #tpu.memory_space<semaphore_mem>> -> memref<1x!tpu.dma_semaphore, #tpu.memory_space<semaphore_mem>>
    %dma_start3A_145 = tpu.memref_squeeze %dma_start3A_144 : memref<1x!tpu.dma_semaphore, #tpu.memory_space<semaphore_mem>> -> memref<!tpu.dma_semaphore, #tpu.memory_space<semaphore_mem>>
    %dma_start3A_146 = arith.constant 0 : i32
    %dma_start3A_147 = tpu.memref_slice %arg4[%add3A_135, %dma_start3A_146] : memref<819200x128xf32, #tpu.memory_space<hbm>> -> memref<128x128xf32, #tpu.memory_space<hbm>>
    %dma_start3A_148 = arith.constant 0 : i32
    %dma_start3A_149 = arith.constant 0 : i32
    %dma_start3A_150 = tpu.memref_slice %arg6[%dma_start3A_136, %dma_start3A_148, %dma_start3A_149] : memref<4x128x128xf32, #tpu.memory_space<vmem>> -> memref<1x128x128xf32, #tpu.memory_space<vmem>>
    %dma_start3A_151 = tpu.memref_squeeze %dma_start3A_150 : memref<1x128x128xf32, #tpu.memory_space<vmem>> -> memref<128x128xf32, #tpu.memory_space<vmem>>
    tpu.enqueue_dma source(%dma_start3A_151 : memref<128x128xf32, #tpu.memory_space<vmem>>) target(%dma_start3A_147 : memref<128x128xf32, #tpu.memory_space<hbm>>) target_semaphore(%dma_start3A_145 : memref<!tpu.dma_semaphore, #tpu.memory_space<semaphore_mem>>)
    %dma_wait3A_152 = arith.constant 2 : i32
    %dma_wait3A_153 = arith.constant 2 : i32
    %dma_wait3A_154 = arith.constant 0 : i32
    %dma_wait3A_155 = arith.constant 0 : i32
    %dma_wait3A_156 = tpu.memref_slice %arg6[%dma_wait3A_152, %dma_wait3A_154, %dma_wait3A_155] : memref<4x128x128xf32, #tpu.memory_space<vmem>> -> memref<1x128x128xf32, #tpu.memory_space<vmem>>
    %dma_wait3A_157 = tpu.memref_squeeze %dma_wait3A_156 : memref<1x128x128xf32, #tpu.memory_space<vmem>> -> memref<128x128xf32, #tpu.memory_space<vmem>>
    %dma_wait3A_158 = arith.constant 0 : i32
    %dma_wait3A_159 = arith.constant 0 : i32
    %dma_wait3A_160 = tpu.memref_slice %dma_wait3A_157[%dma_wait3A_158, %dma_wait3A_159] : memref<128x128xf32, #tpu.memory_space<vmem>> -> memref<128x128xf32, #tpu.memory_space<vmem>>
    %dma_wait3A_161 = arith.constant 0 : i32
    %dma_wait3A_162 = arith.constant 0 : i32
    %dma_wait3A_163 = tpu.memref_slice %arg2[%dma_wait3A_161, %dma_wait3A_162] : memref<1000x128xf32, #tpu.memory_space<hbm>> -> memref<128x128xf32, #tpu.memory_space<hbm>>
    %dma_wait3A_164 = tpu.memref_slice %arg8[%dma_wait3A_153] : memref<4x!tpu.dma_semaphore, #tpu.memory_space<semaphore_mem>> -> memref<1x!tpu.dma_semaphore, #tpu.memory_space<semaphore_mem>>
    %dma_wait3A_165 = tpu.memref_squeeze %dma_wait3A_164 : memref<1x!tpu.dma_semaphore, #tpu.memory_space<semaphore_mem>> -> memref<!tpu.dma_semaphore, #tpu.memory_space<semaphore_mem>>
    %dma_wait3A_166 = arith.constant 0 : i32
    %dma_wait3A_167 = arith.constant 0 : i32
    %dma_wait3A_168 = tpu.memref_slice %arg6[%dma_wait3A_152, %dma_wait3A_166, %dma_wait3A_167] : memref<4x128x128xf32, #tpu.memory_space<vmem>> -> memref<1x128x128xf32, #tpu.memory_space<vmem>>
    %dma_wait3A_169 = tpu.memref_squeeze %dma_wait3A_168 : memref<1x128x128xf32, #tpu.memory_space<vmem>> -> memref<128x128xf32, #tpu.memory_space<vmem>>
    %dma_wait3A_170 = arith.constant 0 : i32
    %dma_wait3A_171 = arith.constant 0 : i32
    %dma_wait3A_172 = tpu.memref_slice %dma_wait3A_169[%dma_wait3A_170, %dma_wait3A_171] : memref<128x128xf32, #tpu.memory_space<vmem>> -> memref<128x128xf32, #tpu.memory_space<vmem>>
    %dma_wait3A_173 = arith.constant 0 : i32
    %dma_wait3A_174 = arith.constant 0 : i32
    %dma_wait3A_175 = tpu.memref_slice %arg2[%dma_wait3A_173, %dma_wait3A_174] : memref<1000x128xf32, #tpu.memory_space<hbm>> -> memref<128x128xf32, #tpu.memory_space<hbm>>
    tpu.wait_dma2 semaphore(%dma_wait3A_165 : memref<!tpu.dma_semaphore, #tpu.memory_space<semaphore_mem>>) src(%dma_wait3A_175 : memref<128x128xf32, #tpu.memory_space<hbm>>) dst(%dma_wait3A_172 : memref<128x128xf32, #tpu.memory_space<vmem>>)
    %add3A_176 = arith.constant 25344 : i32
    %add3A_177 = arith.addi %mul3A_4, %add3A_176 : i32
    %dma_start3A_178 = arith.constant 2 : i32
    %dma_start3A_179 = arith.constant 2 : i32
    %dma_start3A_180 = arith.constant 0 : i32
    %dma_start3A_181 = arith.constant 0 : i32
    %dma_start3A_182 = tpu.memref_slice %arg6[%dma_start3A_178, %dma_start3A_180, %dma_start3A_181] : memref<4x128x128xf32, #tpu.memory_space<vmem>> -> memref<1x128x128xf32, #tpu.memory_space<vmem>>
    %dma_start3A_183 = tpu.memref_squeeze %dma_start3A_182 : memref<1x128x128xf32, #tpu.memory_space<vmem>> -> memref<128x128xf32, #tpu.memory_space<vmem>>
    %dma_start3A_184 = arith.constant 0 : i32
    %dma_start3A_185 = tpu.memref_slice %arg4[%add3A_177, %dma_start3A_184] : memref<819200x128xf32, #tpu.memory_space<hbm>> -> memref<128x128xf32, #tpu.memory_space<hbm>>
    %dma_start3A_186 = tpu.memref_slice %arg9[%dma_start3A_179] : memref<4x!tpu.dma_semaphore, #tpu.memory_space<semaphore_mem>> -> memref<1x!tpu.dma_semaphore, #tpu.memory_space<semaphore_mem>>
    %dma_start3A_187 = tpu.memref_squeeze %dma_start3A_186 : memref<1x!tpu.dma_semaphore, #tpu.memory_space<semaphore_mem>> -> memref<!tpu.dma_semaphore, #tpu.memory_space<semaphore_mem>>
    %dma_start3A_188 = arith.constant 0 : i32
    %dma_start3A_189 = tpu.memref_slice %arg4[%add3A_177, %dma_start3A_188] : memref<819200x128xf32, #tpu.memory_space<hbm>> -> memref<128x128xf32, #tpu.memory_space<hbm>>
    %dma_start3A_190 = arith.constant 0 : i32
    %dma_start3A_191 = arith.constant 0 : i32
    %dma_start3A_192 = tpu.memref_slice %arg6[%dma_start3A_178, %dma_start3A_190, %dma_start3A_191] : memref<4x128x128xf32, #tpu.memory_space<vmem>> -> memref<1x128x128xf32, #tpu.memory_space<vmem>>
    %dma_start3A_193 = tpu.memref_squeeze %dma_start3A_192 : memref<1x128x128xf32, #tpu.memory_space<vmem>> -> memref<128x128xf32, #tpu.memory_space<vmem>>
    tpu.enqueue_dma source(%dma_start3A_193 : memref<128x128xf32, #tpu.memory_space<vmem>>) target(%dma_start3A_189 : memref<128x128xf32, #tpu.memory_space<hbm>>) target_semaphore(%dma_start3A_187 : memref<!tpu.dma_semaphore, #tpu.memory_space<semaphore_mem>>)
    %dma_wait3A_194 = arith.constant 3 : i32
    %dma_wait3A_195 = arith.constant 3 : i32
    %dma_wait3A_196 = arith.constant 0 : i32
    %dma_wait3A_197 = arith.constant 0 : i32
    %dma_wait3A_198 = tpu.memref_slice %arg6[%dma_wait3A_194, %dma_wait3A_196, %dma_wait3A_197] : memref<4x128x128xf32, #tpu.memory_space<vmem>> -> memref<1x128x128xf32, #tpu.memory_space<vmem>>
    %dma_wait3A_199 = tpu.memref_squeeze %dma_wait3A_198 : memref<1x128x128xf32, #tpu.memory_space<vmem>> -> memref<128x128xf32, #tpu.memory_space<vmem>>
    %dma_wait3A_200 = arith.constant 0 : i32
    %dma_wait3A_201 = arith.constant 0 : i32
    %dma_wait3A_202 = tpu.memref_slice %dma_wait3A_199[%dma_wait3A_200, %dma_wait3A_201] : memref<128x128xf32, #tpu.memory_space<vmem>> -> memref<128x128xf32, #tpu.memory_space<vmem>>
    %dma_wait3A_203 = arith.constant 0 : i32
    %dma_wait3A_204 = arith.constant 0 : i32
    %dma_wait3A_205 = tpu.memref_slice %arg2[%dma_wait3A_203, %dma_wait3A_204] : memref<1000x128xf32, #tpu.memory_space<hbm>> -> memref<128x128xf32, #tpu.memory_space<hbm>>
    %dma_wait3A_206 = tpu.memref_slice %arg8[%dma_wait3A_195] : memref<4x!tpu.dma_semaphore, #tpu.memory_space<semaphore_mem>> -> memref<1x!tpu.dma_semaphore, #tpu.memory_space<semaphore_mem>>
    %dma_wait3A_207 = tpu.memref_squeeze %dma_wait3A_206 : memref<1x!tpu.dma_semaphore, #tpu.memory_space<semaphore_mem>> -> memref<!tpu.dma_semaphore, #tpu.memory_space<semaphore_mem>>
    %dma_wait3A_208 = arith.constant 0 : i32
    %dma_wait3A_209 = arith.constant 0 : i32
    %dma_wait3A_210 = tpu.memref_slice %arg6[%dma_wait3A_194, %dma_wait3A_208, %dma_wait3A_209] : memref<4x128x128xf32, #tpu.memory_space<vmem>> -> memref<1x128x128xf32, #tpu.memory_space<vmem>>
    %dma_wait3A_211 = tpu.memref_squeeze %dma_wait3A_210 : memref<1x128x128xf32, #tpu.memory_space<vmem>> -> memref<128x128xf32, #tpu.memory_space<vmem>>
    %dma_wait3A_212 = arith.constant 0 : i32
    %dma_wait3A_213 = arith.constant 0 : i32
    %dma_wait3A_214 = tpu.memref_slice %dma_wait3A_211[%dma_wait3A_212, %dma_wait3A_213] : memref<128x128xf32, #tpu.memory_space<vmem>> -> memref<128x128xf32, #tpu.memory_space<vmem>>
    %dma_wait3A_215 = arith.constant 0 : i32
    %dma_wait3A_216 = arith.constant 0 : i32
    %dma_wait3A_217 = tpu.memref_slice %arg2[%dma_wait3A_215, %dma_wait3A_216] : memref<1000x128xf32, #tpu.memory_space<hbm>> -> memref<128x128xf32, #tpu.memory_space<hbm>>
    tpu.wait_dma2 semaphore(%dma_wait3A_207 : memref<!tpu.dma_semaphore, #tpu.memory_space<semaphore_mem>>) src(%dma_wait3A_217 : memref<128x128xf32, #tpu.memory_space<hbm>>) dst(%dma_wait3A_214 : memref<128x128xf32, #tpu.memory_space<vmem>>)
    %add3A_218 = arith.constant 25472 : i32
    %add3A_219 = arith.addi %mul3A_4, %add3A_218 : i32
    %dma_start3A_220 = arith.constant 3 : i32
    %dma_start3A_221 = arith.constant 3 : i32
    %dma_start3A_222 = arith.constant 0 : i32
    %dma_start3A_223 = arith.constant 0 : i32
    %dma_start3A_224 = tpu.memref_slice %arg6[%dma_start3A_220, %dma_start3A_222, %dma_start3A_223] : memref<4x128x128xf32, #tpu.memory_space<vmem>> -> memref<1x128x128xf32, #tpu.memory_space<vmem>>
    %dma_start3A_225 = tpu.memref_squeeze %dma_start3A_224 : memref<1x128x128xf32, #tpu.memory_space<vmem>> -> memref<128x128xf32, #tpu.memory_space<vmem>>
    %dma_start3A_226 = arith.constant 0 : i32
    %dma_start3A_227 = tpu.memref_slice %arg4[%add3A_219, %dma_start3A_226] : memref<819200x128xf32, #tpu.memory_space<hbm>> -> memref<128x128xf32, #tpu.memory_space<hbm>>
    %dma_start3A_228 = tpu.memref_slice %arg9[%dma_start3A_221] : memref<4x!tpu.dma_semaphore, #tpu.memory_space<semaphore_mem>> -> memref<1x!tpu.dma_semaphore, #tpu.memory_space<semaphore_mem>>
    %dma_start3A_229 = tpu.memref_squeeze %dma_start3A_228 : memref<1x!tpu.dma_semaphore, #tpu.memory_space<semaphore_mem>> -> memref<!tpu.dma_semaphore, #tpu.memory_space<semaphore_mem>>
    %dma_start3A_230 = arith.constant 0 : i32
    %dma_start3A_231 = tpu.memref_slice %arg4[%add3A_219, %dma_start3A_230] : memref<819200x128xf32, #tpu.memory_space<hbm>> -> memref<128x128xf32, #tpu.memory_space<hbm>>
    %dma_start3A_232 = arith.constant 0 : i32
    %dma_start3A_233 = arith.constant 0 : i32
    %dma_start3A_234 = tpu.memref_slice %arg6[%dma_start3A_220, %dma_start3A_232, %dma_start3A_233] : memref<4x128x128xf32, #tpu.memory_space<vmem>> -> memref<1x128x128xf32, #tpu.memory_space<vmem>>
    %dma_start3A_235 = tpu.memref_squeeze %dma_start3A_234 : memref<1x128x128xf32, #tpu.memory_space<vmem>> -> memref<128x128xf32, #tpu.memory_space<vmem>>
    tpu.enqueue_dma source(%dma_start3A_235 : memref<128x128xf32, #tpu.memory_space<vmem>>) target(%dma_start3A_231 : memref<128x128xf32, #tpu.memory_space<hbm>>) target_semaphore(%dma_start3A_229 : memref<!tpu.dma_semaphore, #tpu.memory_space<semaphore_mem>>)
    %dma_wait3A_236 = arith.constant 0 : i32
    %dma_wait3A_237 = arith.constant 0 : i32
    %dma_wait3A_238 = arith.constant 0 : i32
    %dma_wait3A_239 = arith.constant 0 : i32
    %dma_wait3A_240 = tpu.memref_slice %arg6[%dma_wait3A_236, %dma_wait3A_238, %dma_wait3A_239] : memref<4x128x128xf32, #tpu.memory_space<vmem>> -> memref<1x128x128xf32, #tpu.memory_space<vmem>>
    %dma_wait3A_241 = tpu.memref_squeeze %dma_wait3A_240 : memref<1x128x128xf32, #tpu.memory_space<vmem>> -> memref<128x128xf32, #tpu.memory_space<vmem>>
    %dma_wait3A_242 = arith.constant 0 : i32
    %dma_wait3A_243 = arith.constant 0 : i32
    %dma_wait3A_244 = tpu.memref_slice %dma_wait3A_241[%dma_wait3A_242, %dma_wait3A_243] : memref<128x128xf32, #tpu.memory_space<vmem>> -> memref<128x128xf32, #tpu.memory_space<vmem>>
    %dma_wait3A_245 = arith.constant 0 : i32
    %dma_wait3A_246 = arith.constant 0 : i32
    %dma_wait3A_247 = tpu.memref_slice %arg2[%dma_wait3A_245, %dma_wait3A_246] : memref<1000x128xf32, #tpu.memory_space<hbm>> -> memref<128x128xf32, #tpu.memory_space<hbm>>
    %dma_wait3A_248 = tpu.memref_slice %arg9[%dma_wait3A_237] : memref<4x!tpu.dma_semaphore, #tpu.memory_space<semaphore_mem>> -> memref<1x!tpu.dma_semaphore, #tpu.memory_space<semaphore_mem>>
    %dma_wait3A_249 = tpu.memref_squeeze %dma_wait3A_248 : memref<1x!tpu.dma_semaphore, #tpu.memory_space<semaphore_mem>> -> memref<!tpu.dma_semaphore, #tpu.memory_space<semaphore_mem>>
    %dma_wait3A_250 = arith.constant 0 : i32
    %dma_wait3A_251 = arith.constant 0 : i32
    %dma_wait3A_252 = tpu.memref_slice %arg6[%dma_wait3A_236, %dma_wait3A_250, %dma_wait3A_251] : memref<4x128x128xf32, #tpu.memory_space<vmem>> -> memref<1x128x128xf32, #tpu.memory_space<vmem>>
    %dma_wait3A_253 = tpu.memref_squeeze %dma_wait3A_252 : memref<1x128x128xf32, #tpu.memory_space<vmem>> -> memref<128x128xf32, #tpu.memory_space<vmem>>
    %dma_wait3A_254 = arith.constant 0 : i32
    %dma_wait3A_255 = arith.constant 0 : i32
    %dma_wait3A_256 = tpu.memref_slice %dma_wait3A_253[%dma_wait3A_254, %dma_wait3A_255] : memref<128x128xf32, #tpu.memory_space<vmem>> -> memref<128x128xf32, #tpu.memory_space<vmem>>
    %dma_wait3A_257 = arith.constant 0 : i32
    %dma_wait3A_258 = arith.constant 0 : i32
    %dma_wait3A_259 = tpu.memref_slice %arg2[%dma_wait3A_257, %dma_wait3A_258] : memref<1000x128xf32, #tpu.memory_space<hbm>> -> memref<128x128xf32, #tpu.memory_space<hbm>>
    tpu.wait_dma2 semaphore(%dma_wait3A_249 : memref<!tpu.dma_semaphore, #tpu.memory_space<semaphore_mem>>) src(%dma_wait3A_259 : memref<128x128xf32, #tpu.memory_space<hbm>>) dst(%dma_wait3A_256 : memref<128x128xf32, #tpu.memory_space<vmem>>)
    %dma_wait3A_260 = arith.constant 1 : i32
    %dma_wait3A_261 = arith.constant 1 : i32
    %dma_wait3A_262 = arith.constant 0 : i32
    %dma_wait3A_263 = arith.constant 0 : i32
    %dma_wait3A_264 = tpu.memref_slice %arg6[%dma_wait3A_260, %dma_wait3A_262, %dma_wait3A_263] : memref<4x128x128xf32, #tpu.memory_space<vmem>> -> memref<1x128x128xf32, #tpu.memory_space<vmem>>
    %dma_wait3A_265 = tpu.memref_squeeze %dma_wait3A_264 : memref<1x128x128xf32, #tpu.memory_space<vmem>> -> memref<128x128xf32, #tpu.memory_space<vmem>>
    %dma_wait3A_266 = arith.constant 0 : i32
    %dma_wait3A_267 = arith.constant 0 : i32
    %dma_wait3A_268 = tpu.memref_slice %dma_wait3A_265[%dma_wait3A_266, %dma_wait3A_267] : memref<128x128xf32, #tpu.memory_space<vmem>> -> memref<128x128xf32, #tpu.memory_space<vmem>>
    %dma_wait3A_269 = arith.constant 0 : i32
    %dma_wait3A_270 = arith.constant 0 : i32
    %dma_wait3A_271 = tpu.memref_slice %arg2[%dma_wait3A_269, %dma_wait3A_270] : memref<1000x128xf32, #tpu.memory_space<hbm>> -> memref<128x128xf32, #tpu.memory_space<hbm>>
    %dma_wait3A_272 = tpu.memref_slice %arg9[%dma_wait3A_261] : memref<4x!tpu.dma_semaphore, #tpu.memory_space<semaphore_mem>> -> memref<1x!tpu.dma_semaphore, #tpu.memory_space<semaphore_mem>>
    %dma_wait3A_273 = tpu.memref_squeeze %dma_wait3A_272 : memref<1x!tpu.dma_semaphore, #tpu.memory_space<semaphore_mem>> -> memref<!tpu.dma_semaphore, #tpu.memory_space<semaphore_mem>>
    %dma_wait3A_274 = arith.constant 0 : i32
    %dma_wait3A_275 = arith.constant 0 : i32
    %dma_wait3A_276 = tpu.memref_slice %arg6[%dma_wait3A_260, %dma_wait3A_274, %dma_wait3A_275] : memref<4x128x128xf32, #tpu.memory_space<vmem>> -> memref<1x128x128xf32, #tpu.memory_space<vmem>>
    %dma_wait3A_277 = tpu.memref_squeeze %dma_wait3A_276 : memref<1x128x128xf32, #tpu.memory_space<vmem>> -> memref<128x128xf32, #tpu.memory_space<vmem>>
    %dma_wait3A_278 = arith.constant 0 : i32
    %dma_wait3A_279 = arith.constant 0 : i32
    %dma_wait3A_280 = tpu.memref_slice %dma_wait3A_277[%dma_wait3A_278, %dma_wait3A_279] : memref<128x128xf32, #tpu.memory_space<vmem>> -> memref<128x128xf32, #tpu.memory_space<vmem>>
    %dma_wait3A_281 = arith.constant 0 : i32
    %dma_wait3A_282 = arith.constant 0 : i32
    %dma_wait3A_283 = tpu.memref_slice %arg2[%dma_wait3A_281, %dma_wait3A_282] : memref<1000x128xf32, #tpu.memory_space<hbm>> -> memref<128x128xf32, #tpu.memory_space<hbm>>
    tpu.wait_dma2 semaphore(%dma_wait3A_273 : memref<!tpu.dma_semaphore, #tpu.memory_space<semaphore_mem>>) src(%dma_wait3A_283 : memref<128x128xf32, #tpu.memory_space<hbm>>) dst(%dma_wait3A_280 : memref<128x128xf32, #tpu.memory_space<vmem>>)
    %dma_wait3A_284 = arith.constant 2 : i32
    %dma_wait3A_285 = arith.constant 2 : i32
    %dma_wait3A_286 = arith.constant 0 : i32
    %dma_wait3A_287 = arith.constant 0 : i32
    %dma_wait3A_288 = tpu.memref_slice %arg6[%dma_wait3A_284, %dma_wait3A_286, %dma_wait3A_287] : memref<4x128x128xf32, #tpu.memory_space<vmem>> -> memref<1x128x128xf32, #tpu.memory_space<vmem>>
    %dma_wait3A_289 = tpu.memref_squeeze %dma_wait3A_288 : memref<1x128x128xf32, #tpu.memory_space<vmem>> -> memref<128x128xf32, #tpu.memory_space<vmem>>
    %dma_wait3A_290 = arith.constant 0 : i32
    %dma_wait3A_291 = arith.constant 0 : i32
    %dma_wait3A_292 = tpu.memref_slice %dma_wait3A_289[%dma_wait3A_290, %dma_wait3A_291] : memref<128x128xf32, #tpu.memory_space<vmem>> -> memref<128x128xf32, #tpu.memory_space<vmem>>
    %dma_wait3A_293 = arith.constant 0 : i32
    %dma_wait3A_294 = arith.constant 0 : i32
    %dma_wait3A_295 = tpu.memref_slice %arg2[%dma_wait3A_293, %dma_wait3A_294] : memref<1000x128xf32, #tpu.memory_space<hbm>> -> memref<128x128xf32, #tpu.memory_space<hbm>>
    %dma_wait3A_296 = tpu.memref_slice %arg9[%dma_wait3A_285] : memref<4x!tpu.dma_semaphore, #tpu.memory_space<semaphore_mem>> -> memref<1x!tpu.dma_semaphore, #tpu.memory_space<semaphore_mem>>
    %dma_wait3A_297 = tpu.memref_squeeze %dma_wait3A_296 : memref<1x!tpu.dma_semaphore, #tpu.memory_space<semaphore_mem>> -> memref<!tpu.dma_semaphore, #tpu.memory_space<semaphore_mem>>
    %dma_wait3A_298 = arith.constant 0 : i32
    %dma_wait3A_299 = arith.constant 0 : i32
    %dma_wait3A_300 = tpu.memref_slice %arg6[%dma_wait3A_284, %dma_wait3A_298, %dma_wait3A_299] : memref<4x128x128xf32, #tpu.memory_space<vmem>> -> memref<1x128x128xf32, #tpu.memory_space<vmem>>
    %dma_wait3A_301 = tpu.memref_squeeze %dma_wait3A_300 : memref<1x128x128xf32, #tpu.memory_space<vmem>> -> memref<128x128xf32, #tpu.memory_space<vmem>>
    %dma_wait3A_302 = arith.constant 0 : i32
    %dma_wait3A_303 = arith.constant 0 : i32
    %dma_wait3A_304 = tpu.memref_slice %dma_wait3A_301[%dma_wait3A_302, %dma_wait3A_303] : memref<128x128xf32, #tpu.memory_space<vmem>> -> memref<128x128xf32, #tpu.memory_space<vmem>>
    %dma_wait3A_305 = arith.constant 0 : i32
    %dma_wait3A_306 = arith.constant 0 : i32
    %dma_wait3A_307 = tpu.memref_slice %arg2[%dma_wait3A_305, %dma_wait3A_306] : memref<1000x128xf32, #tpu.memory_space<hbm>> -> memref<128x128xf32, #tpu.memory_space<hbm>>
    tpu.wait_dma2 semaphore(%dma_wait3A_297 : memref<!tpu.dma_semaphore, #tpu.memory_space<semaphore_mem>>) src(%dma_wait3A_307 : memref<128x128xf32, #tpu.memory_space<hbm>>) dst(%dma_wait3A_304 : memref<128x128xf32, #tpu.memory_space<vmem>>)
    %dma_wait3A_308 = arith.constant 3 : i32
    %dma_wait3A_309 = arith.constant 3 : i32
    %dma_wait3A_310 = arith.constant 0 : i32
    %dma_wait3A_311 = arith.constant 0 : i32
    %dma_wait3A_312 = tpu.memref_slice %arg6[%dma_wait3A_308, %dma_wait3A_310, %dma_wait3A_311] : memref<4x128x128xf32, #tpu.memory_space<vmem>> -> memref<1x128x128xf32, #tpu.memory_space<vmem>>
    %dma_wait3A_313 = tpu.memref_squeeze %dma_wait3A_312 : memref<1x128x128xf32, #tpu.memory_space<vmem>> -> memref<128x128xf32, #tpu.memory_space<vmem>>
    %dma_wait3A_314 = arith.constant 0 : i32
    %dma_wait3A_315 = arith.constant 0 : i32
    %dma_wait3A_316 = tpu.memref_slice %dma_wait3A_313[%dma_wait3A_314, %dma_wait3A_315] : memref<128x128xf32, #tpu.memory_space<vmem>> -> memref<128x128xf32, #tpu.memory_space<vmem>>
    %dma_wait3A_317 = arith.constant 0 : i32
    %dma_wait3A_318 = arith.constant 0 : i32
    %dma_wait3A_319 = tpu.memref_slice %arg2[%dma_wait3A_317, %dma_wait3A_318] : memref<1000x128xf32, #tpu.memory_space<hbm>> -> memref<128x128xf32, #tpu.memory_space<hbm>>
    %dma_wait3A_320 = tpu.memref_slice %arg9[%dma_wait3A_309] : memref<4x!tpu.dma_semaphore, #tpu.memory_space<semaphore_mem>> -> memref<1x!tpu.dma_semaphore, #tpu.memory_space<semaphore_mem>>
    %dma_wait3A_321 = tpu.memref_squeeze %dma_wait3A_320 : memref<1x!tpu.dma_semaphore, #tpu.memory_space<semaphore_mem>> -> memref<!tpu.dma_semaphore, #tpu.memory_space<semaphore_mem>>
    %dma_wait3A_322 = arith.constant 0 : i32
    %dma_wait3A_323 = arith.constant 0 : i32
    %dma_wait3A_324 = tpu.memref_slice %arg6[%dma_wait3A_308, %dma_wait3A_322, %dma_wait3A_323] : memref<4x128x128xf32, #tpu.memory_space<vmem>> -> memref<1x128x128xf32, #tpu.memory_space<vmem>>
    %dma_wait3A_325 = tpu.memref_squeeze %dma_wait3A_324 : memref<1x128x128xf32, #tpu.memory_space<vmem>> -> memref<128x128xf32, #tpu.memory_space<vmem>>
    %dma_wait3A_326 = arith.constant 0 : i32
    %dma_wait3A_327 = arith.constant 0 : i32
    %dma_wait3A_328 = tpu.memref_slice %dma_wait3A_325[%dma_wait3A_326, %dma_wait3A_327] : memref<128x128xf32, #tpu.memory_space<vmem>> -> memref<128x128xf32, #tpu.memory_space<vmem>>
    %dma_wait3A_329 = arith.constant 0 : i32
    %dma_wait3A_330 = arith.constant 0 : i32
    %dma_wait3A_331 = tpu.memref_slice %arg2[%dma_wait3A_329, %dma_wait3A_330] : memref<1000x128xf32, #tpu.memory_space<hbm>> -> memref<128x128xf32, #tpu.memory_space<hbm>>
    tpu.wait_dma2 semaphore(%dma_wait3A_321 : memref<!tpu.dma_semaphore, #tpu.memory_space<semaphore_mem>>) src(%dma_wait3A_331 : memref<128x128xf32, #tpu.memory_space<hbm>>) dst(%dma_wait3A_328 : memref<128x128xf32, #tpu.memory_space<vmem>>)
    return
  }
}

</mosaic_0001>

<sc_bundles>
// kernel: kernel.3.cloned.1.call-start
scs
__scs_entry_jumppad:
0x0: {  	(pc) =	sbr.rel $0x88, $3  }
0x1: {  	(tag) =	ssettag $0x0;
	lr =	simm.s32 $0x1  }
0x2: {  	[smem:$0x3F9F] =	sst lr;
	_ =	strace $0xD0000000  }
0x3: {  	_ = 	snop  }
0x4: {  	_ = 	snop  }
0x5: {  	_ = 	snop  }
0x6: {  	_ = 	snop  }
0x7: {  	_ = 	snop  }
__scs_overlays_trampoline_lowered:
0x8: {  	[smem:$0x3FAE] =	sst s0  }
0x9: {  	[smem:$0x3FAF] =	sst s1  }
0xa: {  	[smem:$0x3FB0] =	sst s2  }
0xb: {  	[smem:$0x3FB1] =	sst s3  }
0xc: {  	[smem:$0x3FB2] =	sst s4  }
0xd: {  	[smem:$0x3FB3] =	sst s5  }
0xe: {  	[smem:$0x3FB4] =	sst s6  }
0xf: {  	[smem:$0x3FB5] =	sst s7  }
0x10: {  	[smem:$0x3FB6] =	sst s8  }
0x11: {  	[smem:$0x3FB7] =	sst s9;
	s0 =	simm.s32 @!p0 $0x0  }
0x12: {  	s1 =	sld [smem:$0x3F9D];
	s0 =	simm.s32 @p0 $0x1  }
0x13: {  	[smem:$0x3FB8] =	sst s0;
	s0 =	simm.s32 @!p1 $0x0  }
0x14: {  	s2 =	sld [smem:$0x3F9C];
	s0 =	simm.s32 @p1 $0x1  }
0x15: {  	[smem:$0x3FB9] =	sst s0;
	s0 =	simm.s32 @!p2 $0x0  }
0x16: {  	s3 =	sld [smem:$0x3FDB];
	s0 =	simm.s32 @p2 $0x1  }
0x17: {  	s4 =	simm.s32 $0x1BF5;
	[smem:$0x3FBB] =	sst s0  }
0x18: {  	s0 =	sld [smem:$0x3F9E];
	_ =	swait.ge [sflag:s4], $0x0  }
0x19: {  	s7 =	sld [smem:$0x3F9F]  }
0x1a: {  	s8 =	sadd.s32 $0xFFFFE003, lr  }
0x1b: {  	s9 =	sadd.s32 $0xFFFFFEF7, lr;
	s5 =	simm.s32 $0xFFFFFFFF;
	p2 =	slt.u32 s8, $0xFFFFF086  }
0x1c: {  	p1 =	slt.u32 s9, $0xF7A;
	s5 =	simm.s32 @!p2 $0x0  }
0x1d: {  	s5 =	simm.s32 @p1 $0x1;
	p0 =	seq.s32 s7, s2  }
0x1e: {  	s7 =	smul.u32 @!p0 $0xF7A, s2;
	p2 =	seq.s32 @!p0 s5, $0x0  }
0x1f: {  	s9 =	smul.u32 $0xF7A, s1;
	s8 =	simm.s32 @!p0 $0x1BF5;
	p2 =	por !p2, p0  }
0x20: {  	[sflag:s8] =	ssyncset.s32 @!p0 $0xFFFFF086;
	s6 =	sadd.s32 @!p0 s3, s7;
	s7 =	simm.s32 @!p0 $0x108  }
0x21: {  	s3 =	sadd.s32 s3, s9;
	s6 =	sadd.s32 @!p0 $0x88, s6;
	s7 =	simm.s32 @p2 $0x1082  }
0x22: {  	[simem:s7], [sflag:s8] =	dma.local @!p0 [hbm:s6], $0xF7A  }
0x23: {  	s9 =	sor.u32 $0xD0000000, s2;
	s6 =	simm.s32 $0x108;
	_ =	swait.ge @!p0 [sflag:s8], $0x0  }
0x24: {  	s3 =	sadd.s32 $0x88, s3;
	s6 =	simm.s32 @!p1 $0x1082;
	[sflag:s4] =	ssyncset.s32 $0xFFFFF086  }
0x25: {  	[simem:s6], [sflag:s4] =	dma.local [hbm:s3], $0xF7A  }
0x26: {  	[smem:$0x3F9F] =	sst s1;
	(tag) =	ssettag s2;
	_ =	strace s9  }
0x27: {  	s1 =	sld [smem:$0x3FAF]  }
0x28: {  	s2 =	sld [smem:$0x3FB0]  }
0x29: {  	s4 =	sld [smem:$0x3FB2]  }
0x2a: {  	p0 =	seq.s32 s5, $0x0;
	s5 =	sld [smem:$0x3FB3]  }
0x2b: {  	s6 =	sld [smem:$0x3FB4]  }
0x2c: {  	s7 =	sld [smem:$0x3FB5]  }
0x2d: {  	s3 =	simm.s32 $0x108;
	s8 =	sld [smem:$0x3FB6]  }
0x2e: {  	s3 =	simm.s32 @!p0 $0x1082;
	s9 =	sld [smem:$0x3FB7]  }
0x2f: {  	lr =	sadd.s32 s0, s3;
	s0 =	sld [smem:$0x3FAE]  }
0x30: {  	s3 =	sld [smem:$0x3FB1]  }
0x31: {  	[smem:$0x3FBA] =	sst s10  }
0x32: {  	s10 =	sld [smem:$0x3FB8];
	_ =	sdelay $0x3  }
0x33: {  	p0 =	seq.s32 s10, $0x1;
	s10 =	sld [smem:$0x3FBA];
	_ =	sdelay $0x3  }
0x34: {  	[smem:$0x3FBA] =	sst s10  }
0x35: {  	s10 =	sld [smem:$0x3FB9];
	_ =	sdelay $0x3  }
0x36: {  	p1 =	seq.s32 s10, $0x1;
	s10 =	sld [smem:$0x3FBA];
	_ =	sdelay $0x3  }
0x37: {  	[smem:$0x3FBA] =	sst s10  }
0x38: {  	s10 =	sld [smem:$0x3FBB]  }
0x39: {  	_ = 	snop;
	(pc) =	sbr.ind lr, $3  }
0x3a: {  	_ = 	snop  }
0x3b: {  	_ = 	snop  }
0x3c: {  	p2 =	seq.s32 s10, $0x1;
	s10 =	sld [smem:$0x3FBA]  }
0x3d: {  	_ =	shalt  }
0x3e: {  	_ =	shalt  }
0x3f: {  	_ =	shalt  }
0x40: {  	_ =	shalt  }
0x41: {  	_ =	shalt  }
0x42: {  	_ =	shalt  }
0x43: {  	_ =	shalt  }
0x44: {  	_ =	shalt  }
0x45: {  	_ =	shalt  }
0x46: {  	_ =	shalt  }
0x47: {  	_ =	shalt  }
0x48: {  	_ =	shalt  }
0x49: {  	_ =	shalt  }
0x4a: {  	_ =	shalt  }
0x4b: {  	_ =	shalt  }
0x4c: {  	_ =	shalt  }
0x4d: {  	_ =	shalt  }
0x4e: {  	_ =	shalt  }
0x4f: {  	_ =	shalt  }
0x50: {  	_ =	shalt  }
0x51: {  	_ =	shalt  }
0x52: {  	_ =	shalt  }
0x53: {  	_ =	shalt  }
0x54: {  	_ =	shalt  }
0x55: {  	_ =	shalt  }
0x56: {  	_ =	shalt  }
0x57: {  	_ =	shalt  }
0x58: {  	_ =	shalt  }
0x59: {  	_ =	shalt  }
0x5a: {  	_ =	shalt  }
0x5b: {  	_ =	shalt  }
0x5c: {  	_ =	shalt  }
0x5d: {  	_ =	shalt  }
0x5e: {  	_ =	shalt  }
0x5f: {  	_ =	shalt  }
0x60: {  	_ =	shalt  }
0x61: {  	_ =	shalt  }
0x62: {  	_ =	shalt  }
0x63: {  	_ =	shalt  }
0x64: {  	_ =	shalt  }
0x65: {  	_ =	shalt  }
0x66: {  	_ =	shalt  }
0x67: {  	_ =	shalt  }
0x68: {  	_ =	shalt  }
0x69: {  	_ =	shalt  }
0x6a: {  	_ =	shalt  }
0x6b: {  	_ =	shalt  }
0x6c: {  	_ =	shalt  }
0x6d: {  	_ =	shalt  }
0x6e: {  	_ =	shalt  }
0x6f: {  	_ =	shalt  }
0x70: {  	_ =	shalt  }
0x71: {  	_ =	shalt  }
0x72: {  	_ =	shalt  }
0x73: {  	_ =	shalt  }
0x74: {  	_ =	shalt  }
0x75: {  	_ =	shalt  }
0x76: {  	_ =	shalt  }
0x77: {  	_ =	shalt  }
0x78: {  	_ =	shalt  }
0x79: {  	_ =	shalt  }
0x7a: {  	_ =	shalt  }
0x7b: {  	_ =	shalt  }
0x7c: {  	_ =	shalt  }
0x7d: {  	_ =	shalt  }
0x7e: {  	_ =	shalt  }
0x7f: {  	_ =	shalt  }
0x80: {  	_ =	shalt  }
0x81: {  	_ =	shalt  }
0x82: {  	_ =	shalt  }
0x83: {  	_ =	shalt  }
0x84: {  	_ =	shalt  }
0x85: {  	_ =	shalt  }
0x86: {  	_ =	shalt  }
0x87: {  	_ =	shalt  }
.Lfunc_end0:
.L_simem_size_0:
called_computation_lowered:
.L_overlay_start_0:
0x88: {  	s2 =	sld [smem:$0x3FD9]  }
0x89: {  	s3 =	sld [smem:$0x3FFE];
	_ =	sdelay $0x1  }
0x8a: {  	s1 =	srdreg.scid  }
0x8b: {  	s0 =	sand.u32 $0x1, s1  }
0x8c: {  	s17 =	sshll.u32 s0, $0xA;
	s2 =	sadd.s32 s3, s2  }
0x8d: {  	s2 =	sadd.s32 s2, s17  }
0x8e: {  	[smem:$0x3FC6] =	sst s2  }
0x8f: {  	_ = 	snop  }
0x90: {  	s2 =	sld [smem:$0x3FC8]  }
0x91: {  	s18 =	sld [smem:$0x3FD0];
	(tm) =	ssettm $0x1  }
0x92: {  	s4 =	sld [smem:$0x3FFB];
	_ =	sdelay $0x3  }
0x93: {  	_ =	strace s4  }
0x94: {  	s4 =	sld [smem:$0x3FFC];
	_ =	sdelay $0x3  }
0x95: {  	_ =	strace s4  }
0x96: {  	s4 =	sld [smem:$0x3FFD];
	_ =	sdelay $0x3  }
0x97: {  	_ =	strace s4  }
0x98: {  	_ =	strace $0x8FFFFFFF  }
0x99: {  	s19 =	sld [smem:$0x3FDB];
	_ =	sdelay $0x1  }
0x9a: {  	s5 =	simm.s32 $_scs_section_size  }
0x9b: {  	s6 =	simm.s32 $_size__tile_overlayer_lowered;
	s7 =	simm.s32 $_tile_overlayer_lowered  }
0x9c: {  	s22 =	simm.s32 $0x1BFF;
	s21 =	sshll.u32 s7, $0x1;
	s4 =	sadd.s32 s5, s19  }
0x9d: {  	s8 =	simm.s32 $0x0;
	s20 =	sshll.u32 s6, $0x1;
	s6 =	sadd.s32 s21, s4  }
0x9e: {  	[timem:s8], [sflag:s22] =	dma.local [hbm:s6], s20  }
0x9f: {  	_ =	swait.ge [sflag:s22], s20  }
0xa0: {  	s5 =	ssub.s32 $0x0, s20;
	[sflag:s22] =	ssyncset.done $0x0  }
0xa1: {  	[sflag:s22] =	ssyncadd.s32 s5;
	_ =	sdelay $0x1  }
0xa2: {  	s23 =	simm.s32 $0x1B8B  }
0xa3: {  	_ =	swait.ge [sflag:s23], $0x1  }
0xa4: {  	[sflag:s23] =	ssyncset.done $0x0  }
0xa5: {  	s25 =	simm.s32 $0x1B8E;
	s24 =	sld [smem:$0x3FFE];
	[sflag:s23] =	ssyncadd.s32 $0xFFFFFFFF  }
0xa6: {  	s26 =	simm.s32 $execute0_lowered;
	[smem:$0x3FD2] =	sst s25  }
0xa7: {  	s6 =	sshll.u32 s26, $0x1;
	_ =	strace $0x80000046;
	[dreg:$0x1] =	wrdreg $0xFFFFFFFF  }
0xa8: {  	s28 =	simm.s32 $_size_execute0_lowered;
	s4 =	sadd.s32 s4, s6;
	[dreg:$0x0] =	wrdreg $0x0  }
0xa9: {  	s6 =	sshll.u32 s28, $0x1;
	[dreg:$0x2] =	wrdreg s4  }
0xaa: {  	[dreg:$0x3] =	wrdreg s6  }
0xab: {  	[dreg:$0x4] =	wrdreg $0xC0  }
0xac: {  	_ =	task [dreg:s8], $0x5FFFF  }
0xad: {  	[dreg:$0x1] =	wrdreg $0xFFFFFFFF  }
0xae: {  	[dreg:$0x0] =	wrdreg $0x60  }
0xaf: {  	[dreg:$0x2] =	wrdreg s2  }
0xb0: {  	[dreg:$0x3] =	wrdreg s24  }
0xb1: {  	[dreg:$0x4] =	wrdreg s18  }
0xb2: {  	[dreg:$0x5] =	wrdreg $0x164000  }
0xb3: {  	[dreg:$0x6] =	wrdreg $0x9  }
0xb4: {  	_ =	task.clear_ibuf [dreg:s8], $0x7FFFF;
	_ =	strace $0x90000046  }
0xb5: {  	s29 =	simm.s32 $0x9;
	_ =	strace $0x80000048  }
0xb6: {  	_ =	swait.ge [sflag:s29], $0x1  }
0xb7: {  	[sflag:s29] =	ssyncadd.s32 $0xFFFFFFFF  }
0xb8: {  	_ =	strace $0x90000048  }
0xb9: {  	_ =	sfence  }
0xba: {  	s30 =	sld [smem:$0x0];
	_ =	sdelay $0x2  }
0xbb: {  	s31 =	sshll.u32 s1, $0xD;
	s1 =	sshrl.u32 s1, $0x2  }
0xbc: {  	s3 =	sand.u32 $0x4000, s31;
	s1 =	sadd.s32 s1, s30  }
0xbd: {  	s0 =	sor.u32 s3, s0;
	s1 =	sshll.u32 s1, $0x11  }
0xbe: {  	s0 =	sor.u32 s1, s0  }
0xbf: {  	s0 =	sadd.s32 $0x8F2B, s0  }
0xc0: {  	[sflag:s0] =	ssyncadd.remote.s32 $0x1  }
0xc1: {  	_ =	sfence.sel $0xFFFF  }
0xc2: {  	[dreg:$0x0] =	wrdreg $0xFFFFFFFF;
	(pc) =	sbr.abs _section_cstart, $3  }
0xc3: {  	[dreg:$0x1] =	wrdreg $0xFFFFFFFF  }
0xc4: {  	_ =	task.clear_ibuf [dreg:s8], $0x2FFFF;
	_ =	strace $0x9FFFFFFF  }
0xc5: {  	(tm) =	ssettm $0x7FFFFFFF  }
tec
execute0_lowered:
.L_overlay_start_1:
0x0: {  	(tag) =	ssettag $0x1  }
0x1: {  	s0 =	rddreg [dreg:$0x0]  }
0x2: {  	s1 =	rddreg [dreg:$0x1]  }
0x3: {  	s4 =	rddreg [dreg:$0x2];
	s3 =	srdreg.scid  }
0x4: {  	s17 =	stileid.u32;
	s2 =	rddreg [dreg:$0x3]  }
0x5: {  	s28 =	simm.s32 $0x6;
	s29 =	simm.s32 $0x3;
	s30 =	simm.s32 $0x7  }
0x6: {  	s31 =	simm.s32 $0x4;
	s12 =	sand.u32 $0x1, s3;
	s7 =	smul.u32 $0xC80, s17  }
0x7: {  	s5 =	sshll.u32 s17, $0x1;
	s3 =	simm.s32 $0x0;
	s9 =	smul.u32 $0xC8, s17  }
0x8: {  	s10 =	smul.u32 $0x19000, s17;
	p0 =	sgt.u32 s17, $0x4;
	s5 =	sor.u32 s12, s5  }
0x9: {  	[smem:$0x7FF] =	sst s3;
	s8 =	ssub.s32 $0x2, s12;
	s24 =	smul.u32 $0x320000, s12  }
0xa: {  	s6 =	smul.u32 $0x6400, s5;
	_ =	strace $0x80000047;
	s14 =	sshrl.u32 s8, $0x1  }
0xb: {  	s15 =	sadd.s32 s0, s7;
	s16 =	sadd.s32 $0x80, s9;
	s20 =	smul.u32 $0x320000, s5  }
0xc: {  	s18 =	sshrl.u32 s10, $0x2;
	s13 =	ssub.s32 s8, s14;
	s14 =	smul.u32 $0x640000, s17  }
0xd: {  	[dreg:$0x5] =	wrdreg s15;
	s19 =	sshll.u32 s16, $0x4;
	s15 =	smul.u32 $0xC8000, s17  }
0xe: {  	s21 =	sadd.s32 s18, s2;
	s22 =	sshll.u32 s16, $0x7;
	s16 =	smul.u32 $0x64000, s12  }
0xf: {  	s17 =	simm.s32 $0x80;
	s18 =	simm.s32 $0x6400;
	s6 =	sshrl.u32 s6, $0x3  }
0x10: {  	[dreg:$0x6] =	wrdreg s21;
	s0 =	sadd.s32 s0, s19;
	s7 =	sadd.s32 s22, s2  }
0x11: {  	s23 =	sshrl.u32 s20, $0x3;
	s13 =	smax.u32 s13, $0x1;
	s19 =	simm.s32 $0xA400  }
0x12: {  	s21 =	simm.s32 $0xE400;
	s1 =	sadd.s32 s6, s1;
	[dreg:$0x7] =	wrdreg s0  }
0x13: {  	s0 =	sadd.s32 s4, s23;
	s26 =	sadd.s32 s15, s4;
	s23 =	simm.s32 $0x12400  }
0x14: {  	s8 =	sadd.s32 $0x400, s1;
	s9 =	sadd.s32 $0x62000, s0;
	s10 =	sadd.s32 $0x62800, s0  }
0x15: {  	s11 =	sadd.s32 $0x63000, s0;
	s1 =	sadd.s32 s24, s14;
	s12 =	sadd.s32 $0x63800, s0  }
0x16: {  	s15 =	sadd.s32 s16, s26;
	s16 =	simm.s32 $0x9;
	s24 =	simm.s32 $0x1  }
0x17: {  	s26 =	simm.s32 $0x2;
	s0 =	simm.s32 $0x0;
	s25 =	sshrl.u32 s1, $0x3  }
0x18: {  	s1 =	simm.s32 $0x8;
	s14 =	sadd.s32 s25, s4;
	s25 =	simm.s32 $0x5  }
.LBB2_1:
0x19: {  	s4 =	simm.s32 @!p0 $0x0  }
0x1a: {  	s20 =	simm.s32 @!p0 $0x6400;
	s5 =	rddreg [dreg:$0x5];
	s22 =	simm.s32 @!p0 $0x9  }
0x1b: {  	[tilespmem:s20], [sflag:$0x9] =	stream.linear.gather @!p0 [hbm4b:s5+s4], $0x4000, $0x38;
	[tilespmem:$0x18340] =	vst v63  }
0x1c: {  	_ =	swait.ge @!p0 [sflag:s22], $0x4000  }
0x1d: {  	[sflag:s22] =	ssyncset.done @!p0 $0x0  }
0x1e: {  	s5 =	rddreg [dreg:$0x6];
	[sflag:s22] =	ssyncadd.s32 @!p0 $0xFFFFC000  }
0x1f: {  	[spmem:s5] =	stream.linear.scatter @!p0 [tilespmem:s20], [sflag:$0x9], $0x4000, $0x38;
	[tilespmem:$0x18340] =	vst v63  }
0x20: {  	_ =	swait.ge @!p0 [sflag:s22], $0x4000  }
0x21: {  	[sflag:s22] =	ssyncset.done @!p0 $0x0  }
0x22: {  	s20 =	simm.s32 @!p0 $0xA400;
	s5 =	rddreg [dreg:$0x7];
	[sflag:s22] =	ssyncadd.s32 @!p0 $0xFFFFC000  }
0x23: {  	[tilespmem:s20], [sflag:$0x9] =	stream.linear.gather @!p0 [hbm4b:s5+s4], $0x2400, $0x38;
	[tilespmem:$0x18340] =	vst v63  }
0x24: {  	_ =	swait.ge @!p0 [sflag:s22], $0x2400  }
0x25: {  	[sflag:s22] =	ssyncset.done @!p0 $0x0  }
0x26: {  	[sflag:s22] =	ssyncadd.s32 @!p0 $0xFFFFDC00  }
0x27: {  	[spmem:s7] =	stream.linear.scatter @!p0 [tilespmem:s20], [sflag:$0x9], $0x2400, $0x38;
	[tilespmem:$0x18340] =	vst v63  }
0x28: {  	_ =	swait.ge @!p0 [sflag:s22], $0x2400  }
0x29: {  	[sflag:s22] =	ssyncset.done @!p0 $0x0  }
0x2a: {  	[sflag:s22] =	ssyncadd.s32 @!p0 $0xFFFFDC00  }
0x2b: {  	[tilespmem:s3], [sflag:$0x9] =	stream.linear.gather [hbm4b:s8+s3], $0x6400, $0x38;
	[tilespmem:$0x18340] =	vst v63  }
0x2c: {  	_ =	swait.ge [sflag:s16], $0x6400  }
0x2d: {  	[sflag:s16] =	ssyncset.done $0x0  }
0x2e: {  	[sflag:s16] =	ssyncadd.s32 $0xFFFF9C00  }
0x2f: {  	[bflag:$0x0] =	sbarrier.arrive $0xFFFF  }
0x30: {  	[tilespmem:s18], [sflag:$0x1] =	stream.indirect.gather [spmem:s2], $0x80, s3, s17, $0xb8;
	[tilespmem:$0x18340] =	vst v63  }
0x31: {  	_ = 	snop  }
0x32: {  	[tilespmem:s19], [sflag:$0x2] =	stream.indirect.gather [spmem:s2], $0x80, s17, s17, $0xb8;
	[tilespmem:$0x18340] =	vst v63  }
0x33: {  	s22 =	simm.s32 $0x100  }
0x34: {  	[tilespmem:s21], [sflag:$0x3] =	stream.indirect.gather [spmem:s2], $0x80, s22, s17, $0xb8;
	[tilespmem:$0x18340] =	vst v63  }
0x35: {  	s5 =	simm.s32 $0x180  }
0x36: {  	[tilespmem:s23], [sflag:$0x4] =	stream.indirect.gather [spmem:s2], $0x80, s5, s17, $0xb8;
	[tilespmem:$0x18340] =	vst v63  }
0x37: {  	_ =	swait.ge [sflag:s24], $0x4000  }
0x38: {  	[sflag:s24] =	ssyncset.done $0x0  }
0x39: {  	s6 =	sadd.s32 $0x0, s14;
	[sflag:s24] =	ssyncadd.s32 $0xFFFFC000  }
0x3a: {  	[hbm4b:s6+s3] =	stream.linear.scatter [tilespmem:s18], [sflag:$0x5], $0x4000, $0x38;
	[tilespmem:$0x18340] =	vst v63  }
0x3b: {  	_ =	swait.ge [sflag:s25], $0x4000  }
0x3c: {  	[sflag:s25] =	ssyncset.done $0x0  }
0x3d: {  	s20 =	simm.s32 $0x200;
	[sflag:s25] =	ssyncadd.s32 $0xFFFFC000  }
0x3e: {  	[tilespmem:s18], [sflag:$0x1] =	stream.indirect.gather [spmem:s2], $0x80, s20, s17, $0xb8;
	[tilespmem:$0x18340] =	vst v63  }
0x3f: {  	_ =	swait.ge [sflag:s26], $0x4000  }
0x40: {  	s4 =	sadd.s32 $0x0, s15;
	[sflag:s26] =	ssyncset.done $0x0  }
0x41: {  	s22 =	sadd.s32 $0x800, s4;
	[sflag:s26] =	ssyncadd.s32 $0xFFFFC000  }
0x42: {  	[hbm4b:s22+s3] =	stream.linear.scatter [tilespmem:s19], [sflag:$0x6], $0x4000, $0x38;
	[tilespmem:$0x18340] =	vst v63  }
0x43: {  	_ =	swait.ge [sflag:s28], $0x4000  }
0x44: {  	[sflag:s28] =	ssyncset.done $0x0  }
0x45: {  	s5 =	simm.s32 $0x280;
	[sflag:s28] =	ssyncadd.s32 $0xFFFFC000  }
0x46: {  	[tilespmem:s19], [sflag:$0x2] =	stream.indirect.gather [spmem:s2], $0x80, s5, s17, $0xb8;
	[tilespmem:$0x18340] =	vst v63  }
0x47: {  	_ =	swait.ge [sflag:s29], $0x4000  }
0x48: {  	[sflag:s29] =	ssyncset.done $0x0  }
0x49: {  	s6 =	sadd.s32 $0x1000, s4;
	[sflag:s29] =	ssyncadd.s32 $0xFFFFC000  }
0x4a: {  	[hbm4b:s6+s3] =	stream.linear.scatter [tilespmem:s21], [sflag:$0x7], $0x4000, $0x38;
	[tilespmem:$0x18340] =	vst v63  }
0x4b: {  	_ =	swait.ge [sflag:s30], $0x4000  }
0x4c: {  	[sflag:s30] =	ssyncset.done $0x0  }
0x4d: {  	s22 =	simm.s32 $0x300;
	[sflag:s30] =	ssyncadd.s32 $0xFFFFC000  }
0x4e: {  	[tilespmem:s21], [sflag:$0x3] =	stream.indirect.gather [spmem:s2], $0x80, s22, s17, $0xb8;
	[tilespmem:$0x18340] =	vst v63  }
0x4f: {  	_ =	swait.ge [sflag:s31], $0x4000  }
0x50: {  	[sflag:s31] =	ssyncset.done $0x0  }
0x51: {  	s4 =	sadd.s32 $0x1800, s4;
	[sflag:s31] =	ssyncadd.s32 $0xFFFFC000  }
0x52: {  	[hbm4b:s4+s3] =	stream.linear.scatter [tilespmem:s23], [sflag:$0x8], $0x4000, $0x38;
	[tilespmem:$0x18340] =	vst v63  }
0x53: {  	_ =	swait.ge [sflag:s1], $0x4000  }
0x54: {  	s20 =	simm.s32 $0x380;
	[sflag:s1] =	ssyncset.done $0x0  }
0x55: {  	s22 =	simm.s32 $0x2000;
	s4 =	simm.s32 $0x580;
	[sflag:s1] =	ssyncadd.s32 $0xFFFFC000  }
.LBB2_2:
0x56: {  	[tilespmem:s23], [sflag:$0x4] =	stream.indirect.gather [spmem:s2], $0x80, s20, s17, $0xb8;
	[tilespmem:$0x18340] =	vst v63  }
0x57: {  	s5 =	smov.u32 s22;
	s20 =	smov.u32 s4  }
0x58: {  	p1 =	sne.s32 s22, $0x60000;
	s22 =	sadd.s32 $0x2000, s22;
	_ =	swait.ge [sflag:s24], $0x4000  }
0x59: {  	[sflag:s24] =	ssyncset.done $0x0  }
0x5a: {  	s6 =	sadd.s32 s5, s14;
	[sflag:s24] =	ssyncadd.s32 $0xFFFFC000  }
0x5b: {  	[hbm4b:s6+s3] =	stream.linear.scatter [tilespmem:s18], [sflag:$0x5], $0x4000, $0x38;
	[tilespmem:$0x18340] =	vst v63  }
0x5c: {  	_ =	swait.ge [sflag:s25], $0x4000  }
0x5d: {  	[sflag:s25] =	ssyncset.done $0x0  }
0x5e: {  	s6 =	sadd.s32 $0xFFFFFE80, s4;
	[sflag:s25] =	ssyncadd.s32 $0xFFFFC000  }
0x5f: {  	[tilespmem:s18], [sflag:$0x1] =	stream.indirect.gather [spmem:s2], $0x80, s6, s17, $0xb8;
	[tilespmem:$0x18340] =	vst v63  }
0x60: {  	_ =	swait.ge [sflag:s26], $0x4000  }
0x61: {  	s5 =	sadd.s32 s5, s15;
	[sflag:s26] =	ssyncset.done $0x0  }
0x62: {  	s6 =	sadd.s32 $0x800, s5;
	[sflag:s26] =	ssyncadd.s32 $0xFFFFC000  }
0x63: {  	[hbm4b:s6+s3] =	stream.linear.scatter [tilespmem:s19], [sflag:$0x6], $0x4000, $0x38;
	[tilespmem:$0x18340] =	vst v63  }
0x64: {  	_ =	swait.ge [sflag:s28], $0x4000  }
0x65: {  	[sflag:s28] =	ssyncset.done $0x0  }
0x66: {  	s6 =	sadd.s32 $0xFFFFFF00, s4;
	[sflag:s28] =	ssyncadd.s32 $0xFFFFC000  }
0x67: {  	[tilespmem:s19], [sflag:$0x2] =	stream.indirect.gather [spmem:s2], $0x80, s6, s17, $0xb8;
	[tilespmem:$0x18340] =	vst v63  }
0x68: {  	_ =	swait.ge [sflag:s29], $0x4000  }
0x69: {  	[sflag:s29] =	ssyncset.done $0x0  }
0x6a: {  	s6 =	sadd.s32 $0x1000, s5;
	[sflag:s29] =	ssyncadd.s32 $0xFFFFC000  }
0x6b: {  	[hbm4b:s6+s3] =	stream.linear.scatter [tilespmem:s21], [sflag:$0x7], $0x4000, $0x38;
	[tilespmem:$0x18340] =	vst v63  }
0x6c: {  	_ =	swait.ge [sflag:s30], $0x4000  }
0x6d: {  	[sflag:s30] =	ssyncset.done $0x0  }
0x6e: {  	s6 =	sadd.s32 $0xFFFFFF80, s4;
	[sflag:s30] =	ssyncadd.s32 $0xFFFFC000  }
0x6f: {  	[tilespmem:s21], [sflag:$0x3] =	stream.indirect.gather [spmem:s2], $0x80, s6, s17, $0xb8;
	[tilespmem:$0x18340] =	vst v63  }
0x70: {  	_ =	swait.ge [sflag:s31], $0x4000  }
0x71: {  	[sflag:s31] =	ssyncset.done $0x0  }
.Ltmp0:
0x72: {  	s5 =	sadd.s32 $0x1800, s5;
	[sflag:s31] =	ssyncadd.s32 $0xFFFFC000;
	(pc) =	sbr.rel @p1 .LBB2_2-.Ltmp0, $4  }
0x73: {  	[hbm4b:s5+s3] =	stream.linear.scatter [tilespmem:s23], [sflag:$0x8], $0x4000, $0x38;
	[tilespmem:$0x18340] =	vst v63  }
0x74: {  	_ =	swait.ge [sflag:s1], $0x4000  }
0x75: {  	[sflag:s1] =	ssyncset.done $0x0  }
0x76: {  	s4 =	sadd.s32 $0x200, s4;
	[sflag:s1] =	ssyncadd.s32 $0xFFFFC000  }
0x77: {  	[tilespmem:s23], [sflag:$0x4] =	stream.indirect.gather [spmem:s2], $0x80, s20, s17, $0xb8;
	[tilespmem:$0x18340] =	vst v63  }
0x78: {  	_ =	swait.ge [sflag:s24], $0x4000  }
0x79: {  	[sflag:s24] =	ssyncset.done $0x0  }
0x7a: {  	[sflag:s24] =	ssyncadd.s32 $0xFFFFC000  }
0x7b: {  	[hbm4b:s9+s3] =	stream.linear.scatter [tilespmem:s18], [sflag:$0x5], $0x4000, $0x38;
	[tilespmem:$0x18340] =	vst v63  }
0x7c: {  	_ =	swait.ge [sflag:s26], $0x4000  }
0x7d: {  	[sflag:s26] =	ssyncset.done $0x0  }
0x7e: {  	[sflag:s26] =	ssyncadd.s32 $0xFFFFC000  }
0x7f: {  	[hbm4b:s10+s3] =	stream.linear.scatter [tilespmem:s19], [sflag:$0x6], $0x4000, $0x38;
	[tilespmem:$0x18340] =	vst v63  }
0x80: {  	_ =	swait.ge [sflag:s29], $0x4000  }
0x81: {  	[sflag:s29] =	ssyncset.done $0x0  }
0x82: {  	[sflag:s29] =	ssyncadd.s32 $0xFFFFC000  }
0x83: {  	[hbm4b:s11+s3] =	stream.linear.scatter [tilespmem:s21], [sflag:$0x7], $0x4000, $0x38;
	[tilespmem:$0x18340] =	vst v63  }
0x84: {  	_ =	swait.ge [sflag:s31], $0x4000  }
0x85: {  	[sflag:s31] =	ssyncset.done $0x0  }
0x86: {  	[sflag:s31] =	ssyncadd.s32 $0xFFFFC000  }
0x87: {  	[hbm4b:s12+s3] =	stream.linear.scatter [tilespmem:s23], [sflag:$0x8], $0x4000, $0x38;
	[tilespmem:$0x18340] =	vst v63  }
0x88: {  	_ =	swait.ge [sflag:s25], $0x4000  }
0x89: {  	[sflag:s25] =	ssyncset.done $0x0  }
0x8a: {  	[sflag:s25] =	ssyncadd.s32 $0xFFFFC000  }
0x8b: {  	_ =	swait.ge [sflag:s28], $0x4000  }
0x8c: {  	[sflag:s28] =	ssyncset.done $0x0  }
0x8d: {  	s0 =	sadd.s32 $0x1, s0;
	[sflag:s28] =	ssyncadd.s32 $0xFFFFC000  }
0x8e: {  	p1 =	sne.s32 s0, s13;
	_ =	swait.ge [sflag:s30], $0x4000  }
.Ltmp1:
0x8f: {  	[sflag:s30] =	ssyncset.done $0x0;
	(pc) =	sbr.rel @p1 .LBB2_1-.Ltmp1, $4  }
0x90: {  	[sflag:s30] =	ssyncadd.s32 $0xFFFFC000  }
0x91: {  	_ =	swait.ge [sflag:s1], $0x4000  }
0x92: {  	[sflag:s1] =	ssyncset.done $0x0  }
0x93: {  	[sflag:s1] =	ssyncadd.s32 $0xFFFFC000  }
0x94: {  	_ =	sfence.sel $0x180000  }
0x95: {  	[bflag:$0x0] =	sbarrier.arrive $0xFFFF  }
0x96: {  	_ =	strace $0x90000047  }
0x97: {  	s0 =	stileid.u32;
	[bflag:$0x2] =	sbarrier.arrive $0xFFFF  }
0x98: {  	p0 =	sne.s32 s0, $0x0;
	s0 =	rddreg [dreg:$0x4]  }
0x99: {  	s0 =	sadd.s32 @!p0 $0x100000, s0  }
0x9a: {  	[sflag:s0] =	ssyncadd.tile.s32 @!p0 $0x1;
	_ =	shalt  }
.Lfunc_end2:
_tile_overlayer_lowered:
.L_overlay_start_2:
0x9b: {  	(tag) =	ssettag $0x2  }
0x9c: {  	s0 =	rddreg [dreg:$0x0];
	s2 =	stileid.u32  }
0x9d: {  	s1 =	rddreg [dreg:$0x1];
	p0 =	sne.s32 s2, $0x0  }
0x9e: {  	s3 =	rddreg [dreg:$0x2];
	[bflag:$0x3] =	sbarrier.arrive $0xFFFF;
	s2 =	simm.s32 @!p0 $0x1C09  }
0x9f: {  	[timem:s3], [sflag:s2] =	dma.local @!p0 [hbm:s0], s1  }
0xa0: {  	s0 =	simm.s32 @!p0 $0x9  }
0xa1: {  	_ =	swait.ge @!p0 [sflag:s0], s1  }
0xa2: {  	s1 =	ssub.s32 @!p0 $0x0, s1;
	[sflag:s0] =	ssyncset.done @!p0 $0x0  }
0xa3: {  	[sflag:s0] =	ssyncadd.s32 @!p0 s1  }
0xa4: {  	[bflag:$0x3] =	sbarrier.arrive $0xFFFF  }
0xa5: {  	_ =	shalt  }

</sc_bundles>
